<compile_context>
chip_gen: v7x
topology: tpu7x:2x2x1
jax: 0.10.2.dev20260603
libtpu: 0.0.44.dev20260713+nightly
codegen_flags: <defaults>
</compile_context>

<pallas_src>
import jax
import jax.numpy as jnp
from jax import lax
from jax.experimental import pallas as pl
from jax.experimental.pallas import tpu as pltpu
from jax.experimental.pallas import tpu_sc as plsc

_B, _N, _M = 2, 8192, 2048
_FEATS, _HIDDEN = 64, 128
_ROW = 128


_NBLK_KNN = 1024


def _knn_body(xyz_ref, ct_ref, c_ref, cf_ref, idx_ref, wt_ref, table_ref):
    b = pl.program_id(0)
    j = pl.program_id(1)

    @pl.when(j == 0)
    def _build_table():
        table_ref[:, 0:3] = c_ref[0]
        table_ref[:, 3:3 + _FEATS] = cf_ref[0]
        table_ref[:, 3 + _FEATS:] = jnp.zeros(
            (_M, _ROW - 3 - _FEATS), jnp.float32)

    x = xyz_ref[0]
    ct = ct_ref[0]
    d0 = x[:, 0:1] - ct[0:1, :]
    d1 = x[:, 1:2] - ct[1:2, :]
    d2 = x[:, 2:3] - ct[2:3, :]
    d = d0 * d0 + d1 * d1 + d2 * d2

    iota = lax.broadcasted_iota(jnp.int32, (_NBLK_KNN, _M), 1).astype(jnp.float32)
    inf = jnp.float32(jnp.inf)

    def rowmin(a):
        m = a[:, 0:128]
        for t in range(1, _M // 128):
            m = jnp.minimum(m, a[:, t * 128:(t + 1) * 128])
        return jnp.min(m, axis=1, keepdims=True)

    idxs = []
    sqs = []
    for k in range(3):
        mval = rowmin(d)
        ik = rowmin(jnp.where(d == mval, iota, jnp.float32(_M)))
        idxs.append(ik.astype(jnp.int32))
        sqs.append(mval)
        if k < 2:
            d = jnp.where(iota == ik, inf, d)

    r0 = 1.0 / (sqs[0] + 1e-8)
    r1 = 1.0 / (sqs[1] + 1e-8)
    r2 = 1.0 / (sqs[2] + 1e-8)
    norm = (r0 + r1) + r2
    wt_ref[0] = jnp.concatenate([r0 / norm, r1 / norm, r2 / norm], axis=1)
    base = b * _M
    rows = [jnp.transpose(ik + base)[None, None] for ik in idxs]
    idx_ref[...] = jnp.concatenate(rows, axis=0)


def _knn(xyz, centers_t, centers, center_feats):
    nj = _N // _NBLK_KNN
    grid = (_B, nj)
    return pl.pallas_call(
        _knn_body,
        grid=grid,
        in_specs=[
            pl.BlockSpec((1, _NBLK_KNN, 3), lambda b, j: (b, j, 0)),
            pl.BlockSpec((1, 3, _M), lambda b, j: (b, 0, 0)),
            pl.BlockSpec((1, _M, 3), lambda b, j: (b, 0, 0)),
            pl.BlockSpec((1, _M, _FEATS), lambda b, j: (b, 0, 0)),
        ],
        out_specs=[
            pl.BlockSpec((3, 1, 1, _NBLK_KNN), lambda b, j: (0, b * nj + j, 0, 0)),
            pl.BlockSpec((1, _NBLK_KNN, 3), lambda b, j: (b, j, 0)),
            pl.BlockSpec((_M, _ROW), lambda b, j: (b, 0)),
        ],
        out_shape=[
            jax.ShapeDtypeStruct((3, _B * nj, 1, _NBLK_KNN), jnp.int32),
            jax.ShapeDtypeStruct((_B, _N, 3), jnp.float32),
            jax.ShapeDtypeStruct((_B * _M, _ROW), jnp.float32),
        ],
    )(xyz, centers_t, centers, center_feats)



_NW = 32
_G = _B * _N * 3
_CHUNK = 128
_NCH = _G // (_NW * _CHUNK)


def _sc_gather_body(table_hbm, idx_hbm, out_hbm, idx_v, buf0, buf1, sem0, sem1):
    wid = lax.axis_index("s") * 2 + lax.axis_index("c")
    pltpu.sync_copy(idx_hbm.at[wid], idx_v)
    bufs = (buf0, buf1)
    sems = (sem0, sem1)
    copies = [None, None]
    copies[0] = pltpu.async_copy(table_hbm.at[idx_v.at[0]], buf0, sem0)
    for i in range(_NCH):
        if i + 1 < _NCH:
            copies[(i + 1) % 2] = pltpu.async_copy(
                table_hbm.at[idx_v.at[i + 1]], bufs[(i + 1) % 2],
                sems[(i + 1) % 2])
        copies[i % 2].wait()
        base = (wid * _NCH + i) * _CHUNK
        pltpu.sync_copy(bufs[i % 2], out_hbm.at[pl.ds(base, _CHUNK)])


def _sc_gather(table, idx_flat):
    mesh = plsc.VectorSubcoreMesh(core_axis_name="c", subcore_axis_name="s")
    k = pl.kernel(
        _sc_gather_body,
        out_type=jax.ShapeDtypeStruct((_G, _ROW), jnp.float32),
        mesh=mesh,
        scratch_types=[
            pltpu.VMEM((_NCH, _CHUNK), jnp.int32),
            pltpu.VMEM((_CHUNK, _ROW), jnp.float32),
            pltpu.VMEM((_CHUNK, _ROW), jnp.float32),
            pltpu.SemaphoreType.DMA,
            pltpu.SemaphoreType.DMA,
        ],
    )
    return k(table, idx_flat.reshape(_NW, _NCH, _CHUNK))



_NBLK_MLP = 512


def _gelu(x):
    return x * 0.5 * (1.0 + lax.erf(x * jnp.float32(0.7071067811865476)))


def _layer_norm(x, g, b):
    mu = jnp.mean(x, axis=-1, keepdims=True)
    var = jnp.mean((x - mu) ** 2, axis=-1, keepdims=True)
    return (x - mu) / jnp.sqrt(var + 1e-5) * g + b


def _dot_t(x, w):
    return lax.dot_general(x, w, (((1,), (1,)), ((), ())),
                           preferred_element_type=jnp.float32)


def _dot(x, w):
    return lax.dot_general(x, w, (((1,), (0,)), ((), ())),
                           preferred_element_type=jnp.float32)


def _mlp_body(g_ref, xyz_ref, rgb_ref, wt_ref,
              rW1t_ref, rb1_ref, rg_ref, rbt_ref, rW2_ref, rb2_ref,
              mW1_ref, mb1_ref, mg_ref, mbt_ref, mW2_ref, mb2_ref,
              fW1_ref, fb1_ref, fg_ref, fbt_ref, fW2_ref, fb2_ref,
              out_ref):
    g3 = g_ref[...]
    x = xyz_ref[0]
    wt = wt_ref[0]
    rW1t = rW1t_ref[...]
    skip = None
    for k in range(3):
        gk = g3[k]
        rela = gk[:, 0:3] - x
        h = _dot(rela, rW1t) + rb1_ref[...]
        h = _layer_norm(h, rg_ref[...], rbt_ref[...])
        h = _gelu(h)
        rf = _dot_t(h, rW2_ref[...]) + rb2_ref[...]
        contrib = (rf + gk[:, 3:3 + _FEATS]) * wt[:, k:k + 1]
        skip = contrib if skip is None else skip + contrib

    xf = jnp.concatenate([skip, rgb_ref[0]], axis=1)
    h2 = _dot_t(xf, mW1_ref[...]) + mb1_ref[...]
    h2 = _layer_norm(h2, mg_ref[...], mbt_ref[...])
    h2 = _gelu(h2)
    xf = _dot_t(h2, mW2_ref[...]) + mb2_ref[...]

    h3 = _dot_t(skip + xf, fW1_ref[...]) + fb1_ref[...]
    h3 = _layer_norm(h3, fg_ref[...], fbt_ref[...])
    h3 = _gelu(h3)
    out_ref[0] = _dot_t(h3, fW2_ref[...]) + fb2_ref[...]


def _mlps(gathered, xyz, rgb, wt, params):
    nj = _N // _NBLK_MLP
    grid = (_B, nj)

    def full(a):
        r = len(a.shape)
        return pl.BlockSpec(a.shape, lambda b, j: (0,) * r)

    return pl.pallas_call(
        _mlp_body,
        grid=grid,
        in_specs=[
            pl.BlockSpec((3, _NBLK_MLP, _ROW), lambda b, j: (0, b * nj + j, 0)),
            pl.BlockSpec((1, _NBLK_MLP, 3), lambda b, j: (b, j, 0)),
            pl.BlockSpec((1, _NBLK_MLP, 3), lambda b, j: (b, j, 0)),
            pl.BlockSpec((1, _NBLK_MLP, 3), lambda b, j: (b, j, 0)),
        ] + [full(p) for p in params],
        out_specs=pl.BlockSpec((1, _NBLK_MLP, _FEATS), lambda b, j: (b, j, 0)),
        out_shape=jax.ShapeDtypeStruct((_B, _N, _FEATS), jnp.float32),
    )(gathered, xyz, rgb, wt, *params)




def kernel(xyz, rgb, centers, center_feats, rW1, rb1, rg, rbt, rW2, rb2,
           mW1, mb1, mg, mbt, mW2, mb2, fW1, fb1, fg, fbt, fW2, fb2):
    idx, wt, table = _knn(xyz, centers.transpose(0, 2, 1), centers,
                          center_feats)
    gathered = _sc_gather(table, idx.reshape(-1))
    gathered = gathered.reshape(3, _B * _N, _ROW)
    params = (rW1.T, rb1, rg, rbt, rW2, rb2, mW1, mb1, mg, mbt, mW2, mb2,
              fW1, fb1, fg, fbt, fW2, fb2)
    return _mlps(gathered, xyz, rgb, wt, params)

# --- scband reference (transcript-rebuilt; emitter-appended) ---
"""Pipeline reference for scband-propagate-78898549227884 (READ-ONLY COPY).

The authoritative reference and input builder live on the scoring server;
editing this copy changes nothing except your own understanding.
"""

import jax, jax.numpy as jnp
import numpy as np

B, N, M = 2, 8192, 2048
FEATS, HIDDEN = 64, 128

def _layer_norm(x, g, b):
    mu = jnp.mean(x, axis=-1, keepdims=True)
    var = jnp.mean((x - mu) ** 2, axis=-1, keepdims=True)
    return (x - mu) / jnp.sqrt(var + 1e-5) * g + b

def _mlp(x, W1, b1, g, bt, W2, b2):
    h = x @ W1.T + b1
    h = _layer_norm(h, g, bt)
    h = jax.nn.gelu(h, approximate=False)
    return h @ W2.T + b2

def _lin(k, o, i):
    return jax.random.normal(k, (o, i), dtype=jnp.float32) / np.sqrt(i)

def setup_inputs(seed: int = 0):
    key = jax.random.key(seed)
    ks = jax.random.split(key, 16)
    inp = {}
    inp['xyz'] = jax.random.normal(ks[0], (B, N, 3), dtype=jnp.float32)
    inp['rgb'] = jax.random.uniform(ks[1], (B, N, 3), dtype=jnp.float32)
    inp['centers'] = jax.random.normal(ks[2], (B, M, 3), dtype=jnp.float32)
    inp['center_feats'] = jax.random.normal(ks[3], (B, M, FEATS), dtype=jnp.float32)
    inp['rW1'] = _lin(ks[4], HIDDEN, 3); inp['rb1'] = jnp.zeros((HIDDEN,), jnp.float32)
    inp['rg'] = jnp.ones((HIDDEN,), jnp.float32); inp['rbt'] = jnp.zeros((HIDDEN,), jnp.float32)
    inp['rW2'] = _lin(ks[5], FEATS, HIDDEN); inp['rb2'] = jnp.zeros((FEATS,), jnp.float32)
    inp['mW1'] = _lin(ks[6], HIDDEN, FEATS + 3); inp['mb1'] = jnp.zeros((HIDDEN,), jnp.float32)
    inp['mg'] = jnp.ones((HIDDEN,), jnp.float32); inp['mbt'] = jnp.zeros((HIDDEN,), jnp.float32)
    inp['mW2'] = _lin(ks[7], FEATS, HIDDEN); inp['mb2'] = jnp.zeros((FEATS,), jnp.float32)
    inp['fW1'] = _lin(ks[8], HIDDEN, FEATS); inp['fb1'] = jnp.zeros((HIDDEN,), jnp.float32)
    inp['fg'] = jnp.ones((HIDDEN,), jnp.float32); inp['fbt'] = jnp.zeros((HIDDEN,), jnp.float32)
    inp['fW2'] = _lin(ks[9], FEATS, HIDDEN); inp['fb2'] = jnp.zeros((FEATS,), jnp.float32)
    return inp

def _forward(xyz, rgb, centers, center_feats, rW1, rb1, rg, rbt, rW2, rb2, mW1, mb1, mg, mbt, mW2, mb2, fW1, fb1, fg, fbt, fW2, fb2):
    # knn_point(3, centers, xyz): 3 nearest centers per query point
    sq = jnp.sum((xyz[:, :, None, :] - centers[:, None, :, :]) ** 2, axis=-1)  # [B,N,M]
    neg, idx = jax.lax.top_k(-sq, 3)
    sq_k = -neg  # squared distances == dist**2
    dist_recip = 1.0 / (sq_k + 1e-8)
    norm = jnp.sum(dist_recip, axis=2, keepdims=True)
    weight = dist_recip / norm
    rela_idx = (idx + jnp.arange(centers.shape[0])[:, None, None] * centers.shape[1]).reshape(-1)
    rela_xyz = centers.reshape(-1, 3)[rela_idx].reshape(xyz.shape[0], -1, 3, 3)
    rela_xyz = rela_xyz - xyz[:, :, None, :]
    rela_feats = _mlp(rela_xyz, rW1, rb1, rg, rbt, rW2, rb2)
    rela_feats = jnp.sum(rela_feats * weight[..., None], axis=-2)
    xyz_feats = center_feats.reshape(-1, center_feats.shape[-1])[rela_idx].reshape(xyz.shape[0], xyz.shape[1], 3, -1)
    xyz_feats = xyz_feats * weight[..., None]
    xyz_feats = jnp.sum(xyz_feats, axis=-2)
    skip_feats = rela_feats + xyz_feats
    xf = jnp.concatenate([skip_feats, rgb], axis=-1)
    xf = _mlp(xf, mW1, mb1, mg, mbt, mW2, mb2)
    out = _mlp(skip_feats + xf, fW1, fb1, fg, fbt, fW2, fb2)
    return out

def reference(xyz, rgb, centers, center_feats, rW1, rb1, rg, rbt, rW2, rb2, mW1, mb1, mg, mbt, mW2, mb2, fW1, fb1, fg, fbt, fW2, fb2):
    return _forward(xyz, rgb, centers, center_feats, rW1, rb1, rg, rbt, rW2, rb2, mW1, mb1, mg, mbt, mW2, mb2, fW1, fb1, fg, fbt, fW2, fb2)

if __name__ == "__main__":
    import jax
    _d = setup_inputs()
    print(jax.jit(kernel)(*tuple(_d.values())))

</pallas_src>

<mosaic_0001>
#map = affine_map<(d0, d1) -> (0, 0)>
#map1 = affine_map<(d0, d1) -> (0, 0, 0)>
module attributes {stable_mosaic.version = 14 : i64} {
  func.func @_sc_gather_body(%arg0: i32, %arg1: i32, %arg2: memref<4096x128xf32, #tpu.memory_space<hbm>>, %arg3: memref<32x12x128xi32, #tpu.memory_space<hbm>>, %arg4: memref<49152x128xf32, #tpu.memory_space<hbm>>, %arg5: memref<12x128xi32, #tpu.memory_space<vmem>>, %arg6: memref<128x128xf32, #tpu.memory_space<vmem>>, %arg7: memref<128x128xf32, #tpu.memory_space<vmem>>, %arg8: memref<!tpu.dma_semaphore, #tpu.memory_space<semaphore_mem>>, %arg9: memref<!tpu.dma_semaphore, #tpu.memory_space<semaphore_mem>>) attributes {dimension_semantics = [#tpu.dimension_semantics<core_parallel>, #tpu.dimension_semantics<subcore_parallel>], iteration_bounds = array<i64: 2, 16>, scalar_prefetch = 0 : i64, scratch_operands = 5 : i64, tpu.core_type = #tpu.core_type<sc_vector_subcore>, window_params = [{transform_indices = #map}, {transform_indices = #map1}, {transform_indices = #map}]} {
    %mul3A = arith.constant 2 : i32
    %mul3A_0 = arith.muli %arg1, %mul3A : i32
    %add3A = arith.addi %mul3A_0, %arg0 : i32
    "tpu.region"() ({
      %run_scoped3A = tpu.sem_alloc : memref<!tpu.dma_semaphore, #tpu.memory_space<semaphore_mem>>
      %dma_start3A_239 = arith.constant 0 : i32
      %dma_start3A_240 = arith.constant 0 : i32
      %dma_start3A_241 = tpu.memref_slice %arg3[%add3A, %dma_start3A_239, %dma_start3A_240] : memref<32x12x128xi32, #tpu.memory_space<hbm>> -> memref<1x12x128xi32, #tpu.memory_space<hbm>>
      %dma_start3A_242 = tpu.memref_squeeze %dma_start3A_241 : memref<1x12x128xi32, #tpu.memory_space<hbm>> -> memref<12x128xi32, #tpu.memory_space<hbm>>
      %dma_start3A_243 = arith.constant 0 : i32
      %dma_start3A_244 = arith.constant 0 : i32
      %dma_start3A_245 = tpu.memref_slice %arg3[%add3A, %dma_start3A_243, %dma_start3A_244] : memref<32x12x128xi32, #tpu.memory_space<hbm>> -> memref<1x12x128xi32, #tpu.memory_space<hbm>>
      %dma_start3A_246 = tpu.memref_squeeze %dma_start3A_245 : memref<1x12x128xi32, #tpu.memory_space<hbm>> -> memref<12x128xi32, #tpu.memory_space<hbm>>
      tpu.enqueue_dma source(%dma_start3A_246 : memref<12x128xi32, #tpu.memory_space<hbm>>) target(%arg5 : memref<12x128xi32, #tpu.memory_space<vmem>>) target_semaphore(%run_scoped3A : memref<!tpu.dma_semaphore, #tpu.memory_space<semaphore_mem>>)
      %dma_wait3A_247 = arith.constant 0 : i32
      %dma_wait3A_248 = arith.constant 0 : i32
      %dma_wait3A_249 = tpu.memref_slice %arg3[%add3A, %dma_wait3A_247, %dma_wait3A_248] : memref<32x12x128xi32, #tpu.memory_space<hbm>> -> memref<1x12x128xi32, #tpu.memory_space<hbm>>
      %dma_wait3A_250 = tpu.memref_squeeze %dma_wait3A_249 : memref<1x12x128xi32, #tpu.memory_space<hbm>> -> memref<12x128xi32, #tpu.memory_space<hbm>>
      %dma_wait3A_251 = arith.constant 0 : i32
      %dma_wait3A_252 = arith.constant 0 : i32
      %dma_wait3A_253 = tpu.memref_slice %arg3[%add3A, %dma_wait3A_251, %dma_wait3A_252] : memref<32x12x128xi32, #tpu.memory_space<hbm>> -> memref<1x12x128xi32, #tpu.memory_space<hbm>>
      %dma_wait3A_254 = tpu.memref_squeeze %dma_wait3A_253 : memref<1x12x128xi32, #tpu.memory_space<hbm>> -> memref<12x128xi32, #tpu.memory_space<hbm>>
      tpu.wait_dma2 semaphore(%run_scoped3A : memref<!tpu.dma_semaphore, #tpu.memory_space<semaphore_mem>>) src(%dma_wait3A_254 : memref<12x128xi32, #tpu.memory_space<hbm>>) dst(%arg5 : memref<12x128xi32, #tpu.memory_space<vmem>>)
      tpu.yield
    }) : () -> ()
    %dma_start3A = arith.constant 0 : i32
    %dma_start3A_1 = arith.constant 0 : i32
    %dma_start3A_2 = tpu.memref_slice %arg5[%dma_start3A, %dma_start3A_1] : memref<12x128xi32, #tpu.memory_space<vmem>> -> memref<1x128xi32, #tpu.memory_space<vmem>>
    %dma_start3A_3 = tpu.memref_squeeze %dma_start3A_2 : memref<1x128xi32, #tpu.memory_space<vmem>> -> memref<128xi32, #tpu.memory_space<vmem>>
    %dma_start3A_4 = arith.constant 0 : i32
    %dma_start3A_5 = arith.constant 0 : i32
    %dma_start3A_6 = tpu.memref_slice %arg2[%dma_start3A_4, %dma_start3A_5] : memref<4096x128xf32, #tpu.memory_space<hbm>> -> memref<4096x128xf32, #tpu.memory_space<hbm>>
    tpu.enqueue_indirect_dma source(%dma_start3A_6 : memref<4096x128xf32, #tpu.memory_space<hbm>>) target(%arg6 : memref<128x128xf32, #tpu.memory_space<vmem>>) offsets(%dma_start3A_3 : memref<128xi32, #tpu.memory_space<vmem>>) semaphore(%arg8 : memref<!tpu.dma_semaphore, #tpu.memory_space<semaphore_mem>>)
    %dma_start3A_7 = arith.constant 1 : i32
    %dma_start3A_8 = arith.constant 0 : i32
    %dma_start3A_9 = tpu.memref_slice %arg5[%dma_start3A_7, %dma_start3A_8] : memref<12x128xi32, #tpu.memory_space<vmem>> -> memref<1x128xi32, #tpu.memory_space<vmem>>
    %dma_start3A_10 = tpu.memref_squeeze %dma_start3A_9 : memref<1x128xi32, #tpu.memory_space<vmem>> -> memref<128xi32, #tpu.memory_space<vmem>>
    %dma_start3A_11 = arith.constant 0 : i32
    %dma_start3A_12 = arith.constant 0 : i32
    %dma_start3A_13 = tpu.memref_slice %arg2[%dma_start3A_11, %dma_start3A_12] : memref<4096x128xf32, #tpu.memory_space<hbm>> -> memref<4096x128xf32, #tpu.memory_space<hbm>>
    tpu.enqueue_indirect_dma source(%dma_start3A_13 : memref<4096x128xf32, #tpu.memory_space<hbm>>) target(%arg7 : memref<128x128xf32, #tpu.memory_space<vmem>>) offsets(%dma_start3A_10 : memref<128xi32, #tpu.memory_space<vmem>>) semaphore(%arg9 : memref<!tpu.dma_semaphore, #tpu.memory_space<semaphore_mem>>)
    %dma_wait3A = arith.constant 0 : i32
    %dma_wait3A_14 = arith.constant 0 : i32
    %dma_wait3A_15 = tpu.memref_slice %arg5[%dma_wait3A, %dma_wait3A_14] : memref<12x128xi32, #tpu.memory_space<vmem>> -> memref<1x128xi32, #tpu.memory_space<vmem>>
    %dma_wait3A_16 = tpu.memref_squeeze %dma_wait3A_15 : memref<1x128xi32, #tpu.memory_space<vmem>> -> memref<128xi32, #tpu.memory_space<vmem>>
    %dma_wait3A_17 = arith.constant 0 : i32
    %dma_wait3A_18 = arith.constant 0 : i32
    %dma_wait3A_19 = tpu.memref_slice %arg2[%dma_wait3A_17, %dma_wait3A_18] : memref<4096x128xf32, #tpu.memory_space<hbm>> -> memref<4096x128xf32, #tpu.memory_space<hbm>>
    tpu.wait_indirect_dma semaphore(%arg8 : memref<!tpu.dma_semaphore, #tpu.memory_space<semaphore_mem>>) src(%dma_wait3A_19 : memref<4096x128xf32, #tpu.memory_space<hbm>>) dst(%arg6 : memref<128x128xf32, #tpu.memory_space<vmem>>)
    %mul3A_20 = arith.constant 12 : i32
    %mul3A_21 = arith.muli %add3A, %mul3A_20 : i32
    %add3A_22 = arith.constant 0 : i32
    %add3A_23 = arith.addi %mul3A_21, %add3A_22 : i32
    %mul3A_24 = arith.constant 128 : i32
    %mul3A_25 = arith.muli %add3A_23, %mul3A_24 : i32
    "tpu.region"() ({
      %run_scoped3A = tpu.sem_alloc : memref<!tpu.dma_semaphore, #tpu.memory_space<semaphore_mem>>
      %dma_start3A_239 = arith.constant 0 : i32
      %dma_start3A_240 = tpu.memref_slice %arg4[%mul3A_25, %dma_start3A_239] : memref<49152x128xf32, #tpu.memory_space<hbm>> -> memref<128x128xf32, #tpu.memory_space<hbm>>
      %dma_start3A_241 = arith.constant 0 : i32
      %dma_start3A_242 = tpu.memref_slice %arg4[%mul3A_25, %dma_start3A_241] : memref<49152x128xf32, #tpu.memory_space<hbm>> -> memref<128x128xf32, #tpu.memory_space<hbm>>
      tpu.enqueue_dma source(%arg6 : memref<128x128xf32, #tpu.memory_space<vmem>>) target(%dma_start3A_242 : memref<128x128xf32, #tpu.memory_space<hbm>>) target_semaphore(%run_scoped3A : memref<!tpu.dma_semaphore, #tpu.memory_space<semaphore_mem>>)
      %dma_wait3A_243 = arith.constant 0 : i32
      %dma_wait3A_244 = tpu.memref_slice %arg4[%mul3A_25, %dma_wait3A_243] : memref<49152x128xf32, #tpu.memory_space<hbm>> -> memref<128x128xf32, #tpu.memory_space<hbm>>
      %dma_wait3A_245 = arith.constant 0 : i32
      %dma_wait3A_246 = tpu.memref_slice %arg4[%mul3A_25, %dma_wait3A_245] : memref<49152x128xf32, #tpu.memory_space<hbm>> -> memref<128x128xf32, #tpu.memory_space<hbm>>
      tpu.wait_dma2 semaphore(%run_scoped3A : memref<!tpu.dma_semaphore, #tpu.memory_space<semaphore_mem>>) src(%arg6 : memref<128x128xf32, #tpu.memory_space<vmem>>) dst(%dma_wait3A_246 : memref<128x128xf32, #tpu.memory_space<hbm>>)
      tpu.yield
    }) : () -> ()
    %dma_start3A_26 = arith.constant 2 : i32
    %dma_start3A_27 = arith.constant 0 : i32
    %dma_start3A_28 = tpu.memref_slice %arg5[%dma_start3A_26, %dma_start3A_27] : memref<12x128xi32, #tpu.memory_space<vmem>> -> memref<1x128xi32, #tpu.memory_space<vmem>>
    %dma_start3A_29 = tpu.memref_squeeze %dma_start3A_28 : memref<1x128xi32, #tpu.memory_space<vmem>> -> memref<128xi32, #tpu.memory_space<vmem>>
    %dma_start3A_30 = arith.constant 0 : i32
    %dma_start3A_31 = arith.constant 0 : i32
    %dma_start3A_32 = tpu.memref_slice %arg2[%dma_start3A_30, %dma_start3A_31] : memref<4096x128xf32, #tpu.memory_space<hbm>> -> memref<4096x128xf32, #tpu.memory_space<hbm>>
    tpu.enqueue_indirect_dma source(%dma_start3A_32 : memref<4096x128xf32, #tpu.memory_space<hbm>>) target(%arg6 : memref<128x128xf32, #tpu.memory_space<vmem>>) offsets(%dma_start3A_29 : memref<128xi32, #tpu.memory_space<vmem>>) semaphore(%arg8 : memref<!tpu.dma_semaphore, #tpu.memory_space<semaphore_mem>>)
    %dma_wait3A_33 = arith.constant 1 : i32
    %dma_wait3A_34 = arith.constant 0 : i32
    %dma_wait3A_35 = tpu.memref_slice %arg5[%dma_wait3A_33, %dma_wait3A_34] : memref<12x128xi32, #tpu.memory_space<vmem>> -> memref<1x128xi32, #tpu.memory_space<vmem>>
    %dma_wait3A_36 = tpu.memref_squeeze %dma_wait3A_35 : memref<1x128xi32, #tpu.memory_space<vmem>> -> memref<128xi32, #tpu.memory_space<vmem>>
    %dma_wait3A_37 = arith.constant 0 : i32
    %dma_wait3A_38 = arith.constant 0 : i32
    %dma_wait3A_39 = tpu.memref_slice %arg2[%dma_wait3A_37, %dma_wait3A_38] : memref<4096x128xf32, #tpu.memory_space<hbm>> -> memref<4096x128xf32, #tpu.memory_space<hbm>>
    tpu.wait_indirect_dma semaphore(%arg9 : memref<!tpu.dma_semaphore, #tpu.memory_space<semaphore_mem>>) src(%dma_wait3A_39 : memref<4096x128xf32, #tpu.memory_space<hbm>>) dst(%arg7 : memref<128x128xf32, #tpu.memory_space<vmem>>)
    %mul3A_40 = arith.constant 12 : i32
    %mul3A_41 = arith.muli %add3A, %mul3A_40 : i32
    %add3A_42 = arith.constant 1 : i32
    %add3A_43 = arith.addi %mul3A_41, %add3A_42 : i32
    %mul3A_44 = arith.constant 128 : i32
    %mul3A_45 = arith.muli %add3A_43, %mul3A_44 : i32
    "tpu.region"() ({
      %run_scoped3A = tpu.sem_alloc : memref<!tpu.dma_semaphore, #tpu.memory_space<semaphore_mem>>
      %dma_start3A_239 = arith.constant 0 : i32
      %dma_start3A_240 = tpu.memref_slice %arg4[%mul3A_45, %dma_start3A_239] : memref<49152x128xf32, #tpu.memory_space<hbm>> -> memref<128x128xf32, #tpu.memory_space<hbm>>
      %dma_start3A_241 = arith.constant 0 : i32
      %dma_start3A_242 = tpu.memref_slice %arg4[%mul3A_45, %dma_start3A_241] : memref<49152x128xf32, #tpu.memory_space<hbm>> -> memref<128x128xf32, #tpu.memory_space<hbm>>
      tpu.enqueue_dma source(%arg7 : memref<128x128xf32, #tpu.memory_space<vmem>>) target(%dma_start3A_242 : memref<128x128xf32, #tpu.memory_space<hbm>>) target_semaphore(%run_scoped3A : memref<!tpu.dma_semaphore, #tpu.memory_space<semaphore_mem>>)
      %dma_wait3A_243 = arith.constant 0 : i32
      %dma_wait3A_244 = tpu.memref_slice %arg4[%mul3A_45, %dma_wait3A_243] : memref<49152x128xf32, #tpu.memory_space<hbm>> -> memref<128x128xf32, #tpu.memory_space<hbm>>
      %dma_wait3A_245 = arith.constant 0 : i32
      %dma_wait3A_246 = tpu.memref_slice %arg4[%mul3A_45, %dma_wait3A_245] : memref<49152x128xf32, #tpu.memory_space<hbm>> -> memref<128x128xf32, #tpu.memory_space<hbm>>
      tpu.wait_dma2 semaphore(%run_scoped3A : memref<!tpu.dma_semaphore, #tpu.memory_space<semaphore_mem>>) src(%arg7 : memref<128x128xf32, #tpu.memory_space<vmem>>) dst(%dma_wait3A_246 : memref<128x128xf32, #tpu.memory_space<hbm>>)
      tpu.yield
    }) : () -> ()
    %dma_start3A_46 = arith.constant 3 : i32
    %dma_start3A_47 = arith.constant 0 : i32
    %dma_start3A_48 = tpu.memref_slice %arg5[%dma_start3A_46, %dma_start3A_47] : memref<12x128xi32, #tpu.memory_space<vmem>> -> memref<1x128xi32, #tpu.memory_space<vmem>>
    %dma_start3A_49 = tpu.memref_squeeze %dma_start3A_48 : memref<1x128xi32, #tpu.memory_space<vmem>> -> memref<128xi32, #tpu.memory_space<vmem>>
    %dma_start3A_50 = arith.constant 0 : i32
    %dma_start3A_51 = arith.constant 0 : i32
    %dma_start3A_52 = tpu.memref_slice %arg2[%dma_start3A_50, %dma_start3A_51] : memref<4096x128xf32, #tpu.memory_space<hbm>> -> memref<4096x128xf32, #tpu.memory_space<hbm>>
    tpu.enqueue_indirect_dma source(%dma_start3A_52 : memref<4096x128xf32, #tpu.memory_space<hbm>>) target(%arg7 : memref<128x128xf32, #tpu.memory_space<vmem>>) offsets(%dma_start3A_49 : memref<128xi32, #tpu.memory_space<vmem>>) semaphore(%arg9 : memref<!tpu.dma_semaphore, #tpu.memory_space<semaphore_mem>>)
    %dma_wait3A_53 = arith.constant 2 : i32
    %dma_wait3A_54 = arith.constant 0 : i32
    %dma_wait3A_55 = tpu.memref_slice %arg5[%dma_wait3A_53, %dma_wait3A_54] : memref<12x128xi32, #tpu.memory_space<vmem>> -> memref<1x128xi32, #tpu.memory_space<vmem>>
    %dma_wait3A_56 = tpu.memref_squeeze %dma_wait3A_55 : memref<1x128xi32, #tpu.memory_space<vmem>> -> memref<128xi32, #tpu.memory_space<vmem>>
    %dma_wait3A_57 = arith.constant 0 : i32
    %dma_wait3A_58 = arith.constant 0 : i32
    %dma_wait3A_59 = tpu.memref_slice %arg2[%dma_wait3A_57, %dma_wait3A_58] : memref<4096x128xf32, #tpu.memory_space<hbm>> -> memref<4096x128xf32, #tpu.memory_space<hbm>>
    tpu.wait_indirect_dma semaphore(%arg8 : memref<!tpu.dma_semaphore, #tpu.memory_space<semaphore_mem>>) src(%dma_wait3A_59 : memref<4096x128xf32, #tpu.memory_space<hbm>>) dst(%arg6 : memref<128x128xf32, #tpu.memory_space<vmem>>)
    %mul3A_60 = arith.constant 12 : i32
    %mul3A_61 = arith.muli %add3A, %mul3A_60 : i32
    %add3A_62 = arith.constant 2 : i32
    %add3A_63 = arith.addi %mul3A_61, %add3A_62 : i32
    %mul3A_64 = arith.constant 128 : i32
    %mul3A_65 = arith.muli %add3A_63, %mul3A_64 : i32
    "tpu.region"() ({
      %run_scoped3A = tpu.sem_alloc : memref<!tpu.dma_semaphore, #tpu.memory_space<semaphore_mem>>
      %dma_start3A_239 = arith.constant 0 : i32
      %dma_start3A_240 = tpu.memref_slice %arg4[%mul3A_65, %dma_start3A_239] : memref<49152x128xf32, #tpu.memory_space<hbm>> -> memref<128x128xf32, #tpu.memory_space<hbm>>
      %dma_start3A_241 = arith.constant 0 : i32
      %dma_start3A_242 = tpu.memref_slice %arg4[%mul3A_65, %dma_start3A_241] : memref<49152x128xf32, #tpu.memory_space<hbm>> -> memref<128x128xf32, #tpu.memory_space<hbm>>
      tpu.enqueue_dma source(%arg6 : memref<128x128xf32, #tpu.memory_space<vmem>>) target(%dma_start3A_242 : memref<128x128xf32, #tpu.memory_space<hbm>>) target_semaphore(%run_scoped3A : memref<!tpu.dma_semaphore, #tpu.memory_space<semaphore_mem>>)
      %dma_wait3A_243 = arith.constant 0 : i32
      %dma_wait3A_244 = tpu.memref_slice %arg4[%mul3A_65, %dma_wait3A_243] : memref<49152x128xf32, #tpu.memory_space<hbm>> -> memref<128x128xf32, #tpu.memory_space<hbm>>
      %dma_wait3A_245 = arith.constant 0 : i32
      %dma_wait3A_246 = tpu.memref_slice %arg4[%mul3A_65, %dma_wait3A_245] : memref<49152x128xf32, #tpu.memory_space<hbm>> -> memref<128x128xf32, #tpu.memory_space<hbm>>
      tpu.wait_dma2 semaphore(%run_scoped3A : memref<!tpu.dma_semaphore, #tpu.memory_space<semaphore_mem>>) src(%arg6 : memref<128x128xf32, #tpu.memory_space<vmem>>) dst(%dma_wait3A_246 : memref<128x128xf32, #tpu.memory_space<hbm>>)
      tpu.yield
    }) : () -> ()
    %dma_start3A_66 = arith.constant 4 : i32
    %dma_start3A_67 = arith.constant 0 : i32
    %dma_start3A_68 = tpu.memref_slice %arg5[%dma_start3A_66, %dma_start3A_67] : memref<12x128xi32, #tpu.memory_space<vmem>> -> memref<1x128xi32, #tpu.memory_space<vmem>>
    %dma_start3A_69 = tpu.memref_squeeze %dma_start3A_68 : memref<1x128xi32, #tpu.memory_space<vmem>> -> memref<128xi32, #tpu.memory_space<vmem>>
    %dma_start3A_70 = arith.constant 0 : i32
    %dma_start3A_71 = arith.constant 0 : i32
    %dma_start3A_72 = tpu.memref_slice %arg2[%dma_start3A_70, %dma_start3A_71] : memref<4096x128xf32, #tpu.memory_space<hbm>> -> memref<4096x128xf32, #tpu.memory_space<hbm>>
    tpu.enqueue_indirect_dma source(%dma_start3A_72 : memref<4096x128xf32, #tpu.memory_space<hbm>>) target(%arg6 : memref<128x128xf32, #tpu.memory_space<vmem>>) offsets(%dma_start3A_69 : memref<128xi32, #tpu.memory_space<vmem>>) semaphore(%arg8 : memref<!tpu.dma_semaphore, #tpu.memory_space<semaphore_mem>>)
    %dma_wait3A_73 = arith.constant 3 : i32
    %dma_wait3A_74 = arith.constant 0 : i32
    %dma_wait3A_75 = tpu.memref_slice %arg5[%dma_wait3A_73, %dma_wait3A_74] : memref<12x128xi32, #tpu.memory_space<vmem>> -> memref<1x128xi32, #tpu.memory_space<vmem>>
    %dma_wait3A_76 = tpu.memref_squeeze %dma_wait3A_75 : memref<1x128xi32, #tpu.memory_space<vmem>> -> memref<128xi32, #tpu.memory_space<vmem>>
    %dma_wait3A_77 = arith.constant 0 : i32
    %dma_wait3A_78 = arith.constant 0 : i32
    %dma_wait3A_79 = tpu.memref_slice %arg2[%dma_wait3A_77, %dma_wait3A_78] : memref<4096x128xf32, #tpu.memory_space<hbm>> -> memref<4096x128xf32, #tpu.memory_space<hbm>>
    tpu.wait_indirect_dma semaphore(%arg9 : memref<!tpu.dma_semaphore, #tpu.memory_space<semaphore_mem>>) src(%dma_wait3A_79 : memref<4096x128xf32, #tpu.memory_space<hbm>>) dst(%arg7 : memref<128x128xf32, #tpu.memory_space<vmem>>)
    %mul3A_80 = arith.constant 12 : i32
    %mul3A_81 = arith.muli %add3A, %mul3A_80 : i32
    %add3A_82 = arith.constant 3 : i32
    %add3A_83 = arith.addi %mul3A_81, %add3A_82 : i32
    %mul3A_84 = arith.constant 128 : i32
    %mul3A_85 = arith.muli %add3A_83, %mul3A_84 : i32
    "tpu.region"() ({
      %run_scoped3A = tpu.sem_alloc : memref<!tpu.dma_semaphore, #tpu.memory_space<semaphore_mem>>
      %dma_start3A_239 = arith.constant 0 : i32
      %dma_start3A_240 = tpu.memref_slice %arg4[%mul3A_85, %dma_start3A_239] : memref<49152x128xf32, #tpu.memory_space<hbm>> -> memref<128x128xf32, #tpu.memory_space<hbm>>
      %dma_start3A_241 = arith.constant 0 : i32
      %dma_start3A_242 = tpu.memref_slice %arg4[%mul3A_85, %dma_start3A_241] : memref<49152x128xf32, #tpu.memory_space<hbm>> -> memref<128x128xf32, #tpu.memory_space<hbm>>
      tpu.enqueue_dma source(%arg7 : memref<128x128xf32, #tpu.memory_space<vmem>>) target(%dma_start3A_242 : memref<128x128xf32, #tpu.memory_space<hbm>>) target_semaphore(%run_scoped3A : memref<!tpu.dma_semaphore, #tpu.memory_space<semaphore_mem>>)
      %dma_wait3A_243 = arith.constant 0 : i32
      %dma_wait3A_244 = tpu.memref_slice %arg4[%mul3A_85, %dma_wait3A_243] : memref<49152x128xf32, #tpu.memory_space<hbm>> -> memref<128x128xf32, #tpu.memory_space<hbm>>
      %dma_wait3A_245 = arith.constant 0 : i32
      %dma_wait3A_246 = tpu.memref_slice %arg4[%mul3A_85, %dma_wait3A_245] : memref<49152x128xf32, #tpu.memory_space<hbm>> -> memref<128x128xf32, #tpu.memory_space<hbm>>
      tpu.wait_dma2 semaphore(%run_scoped3A : memref<!tpu.dma_semaphore, #tpu.memory_space<semaphore_mem>>) src(%arg7 : memref<128x128xf32, #tpu.memory_space<vmem>>) dst(%dma_wait3A_246 : memref<128x128xf32, #tpu.memory_space<hbm>>)
      tpu.yield
    }) : () -> ()
    %dma_start3A_86 = arith.constant 5 : i32
    %dma_start3A_87 = arith.constant 0 : i32
    %dma_start3A_88 = tpu.memref_slice %arg5[%dma_start3A_86, %dma_start3A_87] : memref<12x128xi32, #tpu.memory_space<vmem>> -> memref<1x128xi32, #tpu.memory_space<vmem>>
    %dma_start3A_89 = tpu.memref_squeeze %dma_start3A_88 : memref<1x128xi32, #tpu.memory_space<vmem>> -> memref<128xi32, #tpu.memory_space<vmem>>
    %dma_start3A_90 = arith.constant 0 : i32
    %dma_start3A_91 = arith.constant 0 : i32
    %dma_start3A_92 = tpu.memref_slice %arg2[%dma_start3A_90, %dma_start3A_91] : memref<4096x128xf32, #tpu.memory_space<hbm>> -> memref<4096x128xf32, #tpu.memory_space<hbm>>
    tpu.enqueue_indirect_dma source(%dma_start3A_92 : memref<4096x128xf32, #tpu.memory_space<hbm>>) target(%arg7 : memref<128x128xf32, #tpu.memory_space<vmem>>) offsets(%dma_start3A_89 : memref<128xi32, #tpu.memory_space<vmem>>) semaphore(%arg9 : memref<!tpu.dma_semaphore, #tpu.memory_space<semaphore_mem>>)
    %dma_wait3A_93 = arith.constant 4 : i32
    %dma_wait3A_94 = arith.constant 0 : i32
    %dma_wait3A_95 = tpu.memref_slice %arg5[%dma_wait3A_93, %dma_wait3A_94] : memref<12x128xi32, #tpu.memory_space<vmem>> -> memref<1x128xi32, #tpu.memory_space<vmem>>
    %dma_wait3A_96 = tpu.memref_squeeze %dma_wait3A_95 : memref<1x128xi32, #tpu.memory_space<vmem>> -> memref<128xi32, #tpu.memory_space<vmem>>
    %dma_wait3A_97 = arith.constant 0 : i32
    %dma_wait3A_98 = arith.constant 0 : i32
    %dma_wait3A_99 = tpu.memref_slice %arg2[%dma_wait3A_97, %dma_wait3A_98] : memref<4096x128xf32, #tpu.memory_space<hbm>> -> memref<4096x128xf32, #tpu.memory_space<hbm>>
    tpu.wait_indirect_dma semaphore(%arg8 : memref<!tpu.dma_semaphore, #tpu.memory_space<semaphore_mem>>) src(%dma_wait3A_99 : memref<4096x128xf32, #tpu.memory_space<hbm>>) dst(%arg6 : memref<128x128xf32, #tpu.memory_space<vmem>>)
    %mul3A_100 = arith.constant 12 : i32
    %mul3A_101 = arith.muli %add3A, %mul3A_100 : i32
    %add3A_102 = arith.constant 4 : i32
    %add3A_103 = arith.addi %mul3A_101, %add3A_102 : i32
    %mul3A_104 = arith.constant 128 : i32
    %mul3A_105 = arith.muli %add3A_103, %mul3A_104 : i32
    "tpu.region"() ({
      %run_scoped3A = tpu.sem_alloc : memref<!tpu.dma_semaphore, #tpu.memory_space<semaphore_mem>>
      %dma_start3A_239 = arith.constant 0 : i32
      %dma_start3A_240 = tpu.memref_slice %arg4[%mul3A_105, %dma_start3A_239] : memref<49152x128xf32, #tpu.memory_space<hbm>> -> memref<128x128xf32, #tpu.memory_space<hbm>>
      %dma_start3A_241 = arith.constant 0 : i32
      %dma_start3A_242 = tpu.memref_slice %arg4[%mul3A_105, %dma_start3A_241] : memref<49152x128xf32, #tpu.memory_space<hbm>> -> memref<128x128xf32, #tpu.memory_space<hbm>>
      tpu.enqueue_dma source(%arg6 : memref<128x128xf32, #tpu.memory_space<vmem>>) target(%dma_start3A_242 : memref<128x128xf32, #tpu.memory_space<hbm>>) target_semaphore(%run_scoped3A : memref<!tpu.dma_semaphore, #tpu.memory_space<semaphore_mem>>)
      %dma_wait3A_243 = arith.constant 0 : i32
      %dma_wait3A_244 = tpu.memref_slice %arg4[%mul3A_105, %dma_wait3A_243] : memref<49152x128xf32, #tpu.memory_space<hbm>> -> memref<128x128xf32, #tpu.memory_space<hbm>>
      %dma_wait3A_245 = arith.constant 0 : i32
      %dma_wait3A_246 = tpu.memref_slice %arg4[%mul3A_105, %dma_wait3A_245] : memref<49152x128xf32, #tpu.memory_space<hbm>> -> memref<128x128xf32, #tpu.memory_space<hbm>>
      tpu.wait_dma2 semaphore(%run_scoped3A : memref<!tpu.dma_semaphore, #tpu.memory_space<semaphore_mem>>) src(%arg6 : memref<128x128xf32, #tpu.memory_space<vmem>>) dst(%dma_wait3A_246 : memref<128x128xf32, #tpu.memory_space<hbm>>)
      tpu.yield
    }) : () -> ()
    %dma_start3A_106 = arith.constant 6 : i32
    %dma_start3A_107 = arith.constant 0 : i32
    %dma_start3A_108 = tpu.memref_slice %arg5[%dma_start3A_106, %dma_start3A_107] : memref<12x128xi32, #tpu.memory_space<vmem>> -> memref<1x128xi32, #tpu.memory_space<vmem>>
    %dma_start3A_109 = tpu.memref_squeeze %dma_start3A_108 : memref<1x128xi32, #tpu.memory_space<vmem>> -> memref<128xi32, #tpu.memory_space<vmem>>
    %dma_start3A_110 = arith.constant 0 : i32
    %dma_start3A_111 = arith.constant 0 : i32
    %dma_start3A_112 = tpu.memref_slice %arg2[%dma_start3A_110, %dma_start3A_111] : memref<4096x128xf32, #tpu.memory_space<hbm>> -> memref<4096x128xf32, #tpu.memory_space<hbm>>
    tpu.enqueue_indirect_dma source(%dma_start3A_112 : memref<4096x128xf32, #tpu.memory_space<hbm>>) target(%arg6 : memref<128x128xf32, #tpu.memory_space<vmem>>) offsets(%dma_start3A_109 : memref<128xi32, #tpu.memory_space<vmem>>) semaphore(%arg8 : memref<!tpu.dma_semaphore, #tpu.memory_space<semaphore_mem>>)
    %dma_wait3A_113 = arith.constant 5 : i32
    %dma_wait3A_114 = arith.constant 0 : i32
    %dma_wait3A_115 = tpu.memref_slice %arg5[%dma_wait3A_113, %dma_wait3A_114] : memref<12x128xi32, #tpu.memory_space<vmem>> -> memref<1x128xi32, #tpu.memory_space<vmem>>
    %dma_wait3A_116 = tpu.memref_squeeze %dma_wait3A_115 : memref<1x128xi32, #tpu.memory_space<vmem>> -> memref<128xi32, #tpu.memory_space<vmem>>
    %dma_wait3A_117 = arith.constant 0 : i32
    %dma_wait3A_118 = arith.constant 0 : i32
    %dma_wait3A_119 = tpu.memref_slice %arg2[%dma_wait3A_117, %dma_wait3A_118] : memref<4096x128xf32, #tpu.memory_space<hbm>> -> memref<4096x128xf32, #tpu.memory_space<hbm>>
    tpu.wait_indirect_dma semaphore(%arg9 : memref<!tpu.dma_semaphore, #tpu.memory_space<semaphore_mem>>) src(%dma_wait3A_119 : memref<4096x128xf32, #tpu.memory_space<hbm>>) dst(%arg7 : memref<128x128xf32, #tpu.memory_space<vmem>>)
    %mul3A_120 = arith.constant 12 : i32
    %mul3A_121 = arith.muli %add3A, %mul3A_120 : i32
    %add3A_122 = arith.constant 5 : i32
    %add3A_123 = arith.addi %mul3A_121, %add3A_122 : i32
    %mul3A_124 = arith.constant 128 : i32
    %mul3A_125 = arith.muli %add3A_123, %mul3A_124 : i32
    "tpu.region"() ({
      %run_scoped3A = tpu.sem_alloc : memref<!tpu.dma_semaphore, #tpu.memory_space<semaphore_mem>>
      %dma_start3A_239 = arith.constant 0 : i32
      %dma_start3A_240 = tpu.memref_slice %arg4[%mul3A_125, %dma_start3A_239] : memref<49152x128xf32, #tpu.memory_space<hbm>> -> memref<128x128xf32, #tpu.memory_space<hbm>>
      %dma_start3A_241 = arith.constant 0 : i32
      %dma_start3A_242 = tpu.memref_slice %arg4[%mul3A_125, %dma_start3A_241] : memref<49152x128xf32, #tpu.memory_space<hbm>> -> memref<128x128xf32, #tpu.memory_space<hbm>>
      tpu.enqueue_dma source(%arg7 : memref<128x128xf32, #tpu.memory_space<vmem>>) target(%dma_start3A_242 : memref<128x128xf32, #tpu.memory_space<hbm>>) target_semaphore(%run_scoped3A : memref<!tpu.dma_semaphore, #tpu.memory_space<semaphore_mem>>)
      %dma_wait3A_243 = arith.constant 0 : i32
      %dma_wait3A_244 = tpu.memref_slice %arg4[%mul3A_125, %dma_wait3A_243] : memref<49152x128xf32, #tpu.memory_space<hbm>> -> memref<128x128xf32, #tpu.memory_space<hbm>>
      %dma_wait3A_245 = arith.constant 0 : i32
      %dma_wait3A_246 = tpu.memref_slice %arg4[%mul3A_125, %dma_wait3A_245] : memref<49152x128xf32, #tpu.memory_space<hbm>> -> memref<128x128xf32, #tpu.memory_space<hbm>>
      tpu.wait_dma2 semaphore(%run_scoped3A : memref<!tpu.dma_semaphore, #tpu.memory_space<semaphore_mem>>) src(%arg7 : memref<128x128xf32, #tpu.memory_space<vmem>>) dst(%dma_wait3A_246 : memref<128x128xf32, #tpu.memory_space<hbm>>)
      tpu.yield
    }) : () -> ()
    %dma_start3A_126 = arith.constant 7 : i32
    %dma_start3A_127 = arith.constant 0 : i32
    %dma_start3A_128 = tpu.memref_slice %arg5[%dma_start3A_126, %dma_start3A_127] : memref<12x128xi32, #tpu.memory_space<vmem>> -> memref<1x128xi32, #tpu.memory_space<vmem>>
    %dma_start3A_129 = tpu.memref_squeeze %dma_start3A_128 : memref<1x128xi32, #tpu.memory_space<vmem>> -> memref<128xi32, #tpu.memory_space<vmem>>
    %dma_start3A_130 = arith.constant 0 : i32
    %dma_start3A_131 = arith.constant 0 : i32
    %dma_start3A_132 = tpu.memref_slice %arg2[%dma_start3A_130, %dma_start3A_131] : memref<4096x128xf32, #tpu.memory_space<hbm>> -> memref<4096x128xf32, #tpu.memory_space<hbm>>
    tpu.enqueue_indirect_dma source(%dma_start3A_132 : memref<4096x128xf32, #tpu.memory_space<hbm>>) target(%arg7 : memref<128x128xf32, #tpu.memory_space<vmem>>) offsets(%dma_start3A_129 : memref<128xi32, #tpu.memory_space<vmem>>) semaphore(%arg9 : memref<!tpu.dma_semaphore, #tpu.memory_space<semaphore_mem>>)
    %dma_wait3A_133 = arith.constant 6 : i32
    %dma_wait3A_134 = arith.constant 0 : i32
    %dma_wait3A_135 = tpu.memref_slice %arg5[%dma_wait3A_133, %dma_wait3A_134] : memref<12x128xi32, #tpu.memory_space<vmem>> -> memref<1x128xi32, #tpu.memory_space<vmem>>
    %dma_wait3A_136 = tpu.memref_squeeze %dma_wait3A_135 : memref<1x128xi32, #tpu.memory_space<vmem>> -> memref<128xi32, #tpu.memory_space<vmem>>
    %dma_wait3A_137 = arith.constant 0 : i32
    %dma_wait3A_138 = arith.constant 0 : i32
    %dma_wait3A_139 = tpu.memref_slice %arg2[%dma_wait3A_137, %dma_wait3A_138] : memref<4096x128xf32, #tpu.memory_space<hbm>> -> memref<4096x128xf32, #tpu.memory_space<hbm>>
    tpu.wait_indirect_dma semaphore(%arg8 : memref<!tpu.dma_semaphore, #tpu.memory_space<semaphore_mem>>) src(%dma_wait3A_139 : memref<4096x128xf32, #tpu.memory_space<hbm>>) dst(%arg6 : memref<128x128xf32, #tpu.memory_space<vmem>>)
    %mul3A_140 = arith.constant 12 : i32
    %mul3A_141 = arith.muli %add3A, %mul3A_140 : i32
    %add3A_142 = arith.constant 6 : i32
    %add3A_143 = arith.addi %mul3A_141, %add3A_142 : i32
    %mul3A_144 = arith.constant 128 : i32
    %mul3A_145 = arith.muli %add3A_143, %mul3A_144 : i32
    "tpu.region"() ({
      %run_scoped3A = tpu.sem_alloc : memref<!tpu.dma_semaphore, #tpu.memory_space<semaphore_mem>>
      %dma_start3A_239 = arith.constant 0 : i32
      %dma_start3A_240 = tpu.memref_slice %arg4[%mul3A_145, %dma_start3A_239] : memref<49152x128xf32, #tpu.memory_space<hbm>> -> memref<128x128xf32, #tpu.memory_space<hbm>>
      %dma_start3A_241 = arith.constant 0 : i32
      %dma_start3A_242 = tpu.memref_slice %arg4[%mul3A_145, %dma_start3A_241] : memref<49152x128xf32, #tpu.memory_space<hbm>> -> memref<128x128xf32, #tpu.memory_space<hbm>>
      tpu.enqueue_dma source(%arg6 : memref<128x128xf32, #tpu.memory_space<vmem>>) target(%dma_start3A_242 : memref<128x128xf32, #tpu.memory_space<hbm>>) target_semaphore(%run_scoped3A : memref<!tpu.dma_semaphore, #tpu.memory_space<semaphore_mem>>)
      %dma_wait3A_243 = arith.constant 0 : i32
      %dma_wait3A_244 = tpu.memref_slice %arg4[%mul3A_145, %dma_wait3A_243] : memref<49152x128xf32, #tpu.memory_space<hbm>> -> memref<128x128xf32, #tpu.memory_space<hbm>>
      %dma_wait3A_245 = arith.constant 0 : i32
      %dma_wait3A_246 = tpu.memref_slice %arg4[%mul3A_145, %dma_wait3A_245] : memref<49152x128xf32, #tpu.memory_space<hbm>> -> memref<128x128xf32, #tpu.memory_space<hbm>>
      tpu.wait_dma2 semaphore(%run_scoped3A : memref<!tpu.dma_semaphore, #tpu.memory_space<semaphore_mem>>) src(%arg6 : memref<128x128xf32, #tpu.memory_space<vmem>>) dst(%dma_wait3A_246 : memref<128x128xf32, #tpu.memory_space<hbm>>)
      tpu.yield
    }) : () -> ()
    %dma_start3A_146 = arith.constant 8 : i32
    %dma_start3A_147 = arith.constant 0 : i32
    %dma_start3A_148 = tpu.memref_slice %arg5[%dma_start3A_146, %dma_start3A_147] : memref<12x128xi32, #tpu.memory_space<vmem>> -> memref<1x128xi32, #tpu.memory_space<vmem>>
    %dma_start3A_149 = tpu.memref_squeeze %dma_start3A_148 : memref<1x128xi32, #tpu.memory_space<vmem>> -> memref<128xi32, #tpu.memory_space<vmem>>
    %dma_start3A_150 = arith.constant 0 : i32
    %dma_start3A_151 = arith.constant 0 : i32
    %dma_start3A_152 = tpu.memref_slice %arg2[%dma_start3A_150, %dma_start3A_151] : memref<4096x128xf32, #tpu.memory_space<hbm>> -> memref<4096x128xf32, #tpu.memory_space<hbm>>
    tpu.enqueue_indirect_dma source(%dma_start3A_152 : memref<4096x128xf32, #tpu.memory_space<hbm>>) target(%arg6 : memref<128x128xf32, #tpu.memory_space<vmem>>) offsets(%dma_start3A_149 : memref<128xi32, #tpu.memory_space<vmem>>) semaphore(%arg8 : memref<!tpu.dma_semaphore, #tpu.memory_space<semaphore_mem>>)
    %dma_wait3A_153 = arith.constant 7 : i32
    %dma_wait3A_154 = arith.constant 0 : i32
    %dma_wait3A_155 = tpu.memref_slice %arg5[%dma_wait3A_153, %dma_wait3A_154] : memref<12x128xi32, #tpu.memory_space<vmem>> -> memref<1x128xi32, #tpu.memory_space<vmem>>
    %dma_wait3A_156 = tpu.memref_squeeze %dma_wait3A_155 : memref<1x128xi32, #tpu.memory_space<vmem>> -> memref<128xi32, #tpu.memory_space<vmem>>
    %dma_wait3A_157 = arith.constant 0 : i32
    %dma_wait3A_158 = arith.constant 0 : i32
    %dma_wait3A_159 = tpu.memref_slice %arg2[%dma_wait3A_157, %dma_wait3A_158] : memref<4096x128xf32, #tpu.memory_space<hbm>> -> memref<4096x128xf32, #tpu.memory_space<hbm>>
    tpu.wait_indirect_dma semaphore(%arg9 : memref<!tpu.dma_semaphore, #tpu.memory_space<semaphore_mem>>) src(%dma_wait3A_159 : memref<4096x128xf32, #tpu.memory_space<hbm>>) dst(%arg7 : memref<128x128xf32, #tpu.memory_space<vmem>>)
    %mul3A_160 = arith.constant 12 : i32
    %mul3A_161 = arith.muli %add3A, %mul3A_160 : i32
    %add3A_162 = arith.constant 7 : i32
    %add3A_163 = arith.addi %mul3A_161, %add3A_162 : i32
    %mul3A_164 = arith.constant 128 : i32
    %mul3A_165 = arith.muli %add3A_163, %mul3A_164 : i32
    "tpu.region"() ({
      %run_scoped3A = tpu.sem_alloc : memref<!tpu.dma_semaphore, #tpu.memory_space<semaphore_mem>>
      %dma_start3A_239 = arith.constant 0 : i32
      %dma_start3A_240 = tpu.memref_slice %arg4[%mul3A_165, %dma_start3A_239] : memref<49152x128xf32, #tpu.memory_space<hbm>> -> memref<128x128xf32, #tpu.memory_space<hbm>>
      %dma_start3A_241 = arith.constant 0 : i32
      %dma_start3A_242 = tpu.memref_slice %arg4[%mul3A_165, %dma_start3A_241] : memref<49152x128xf32, #tpu.memory_space<hbm>> -> memref<128x128xf32, #tpu.memory_space<hbm>>
      tpu.enqueue_dma source(%arg7 : memref<128x128xf32, #tpu.memory_space<vmem>>) target(%dma_start3A_242 : memref<128x128xf32, #tpu.memory_space<hbm>>) target_semaphore(%run_scoped3A : memref<!tpu.dma_semaphore, #tpu.memory_space<semaphore_mem>>)
      %dma_wait3A_243 = arith.constant 0 : i32
      %dma_wait3A_244 = tpu.memref_slice %arg4[%mul3A_165, %dma_wait3A_243] : memref<49152x128xf32, #tpu.memory_space<hbm>> -> memref<128x128xf32, #tpu.memory_space<hbm>>
      %dma_wait3A_245 = arith.constant 0 : i32
      %dma_wait3A_246 = tpu.memref_slice %arg4[%mul3A_165, %dma_wait3A_245] : memref<49152x128xf32, #tpu.memory_space<hbm>> -> memref<128x128xf32, #tpu.memory_space<hbm>>
      tpu.wait_dma2 semaphore(%run_scoped3A : memref<!tpu.dma_semaphore, #tpu.memory_space<semaphore_mem>>) src(%arg7 : memref<128x128xf32, #tpu.memory_space<vmem>>) dst(%dma_wait3A_246 : memref<128x128xf32, #tpu.memory_space<hbm>>)
      tpu.yield
    }) : () -> ()
    %dma_start3A_166 = arith.constant 9 : i32
    %dma_start3A_167 = arith.constant 0 : i32
    %dma_start3A_168 = tpu.memref_slice %arg5[%dma_start3A_166, %dma_start3A_167] : memref<12x128xi32, #tpu.memory_space<vmem>> -> memref<1x128xi32, #tpu.memory_space<vmem>>
    %dma_start3A_169 = tpu.memref_squeeze %dma_start3A_168 : memref<1x128xi32, #tpu.memory_space<vmem>> -> memref<128xi32, #tpu.memory_space<vmem>>
    %dma_start3A_170 = arith.constant 0 : i32
    %dma_start3A_171 = arith.constant 0 : i32
    %dma_start3A_172 = tpu.memref_slice %arg2[%dma_start3A_170, %dma_start3A_171] : memref<4096x128xf32, #tpu.memory_space<hbm>> -> memref<4096x128xf32, #tpu.memory_space<hbm>>
    tpu.enqueue_indirect_dma source(%dma_start3A_172 : memref<4096x128xf32, #tpu.memory_space<hbm>>) target(%arg7 : memref<128x128xf32, #tpu.memory_space<vmem>>) offsets(%dma_start3A_169 : memref<128xi32, #tpu.memory_space<vmem>>) semaphore(%arg9 : memref<!tpu.dma_semaphore, #tpu.memory_space<semaphore_mem>>)
    %dma_wait3A_173 = arith.constant 8 : i32
    %dma_wait3A_174 = arith.constant 0 : i32
    %dma_wait3A_175 = tpu.memref_slice %arg5[%dma_wait3A_173, %dma_wait3A_174] : memref<12x128xi32, #tpu.memory_space<vmem>> -> memref<1x128xi32, #tpu.memory_space<vmem>>
    %dma_wait3A_176 = tpu.memref_squeeze %dma_wait3A_175 : memref<1x128xi32, #tpu.memory_space<vmem>> -> memref<128xi32, #tpu.memory_space<vmem>>
    %dma_wait3A_177 = arith.constant 0 : i32
    %dma_wait3A_178 = arith.constant 0 : i32
    %dma_wait3A_179 = tpu.memref_slice %arg2[%dma_wait3A_177, %dma_wait3A_178] : memref<4096x128xf32, #tpu.memory_space<hbm>> -> memref<4096x128xf32, #tpu.memory_space<hbm>>
    tpu.wait_indirect_dma semaphore(%arg8 : memref<!tpu.dma_semaphore, #tpu.memory_space<semaphore_mem>>) src(%dma_wait3A_179 : memref<4096x128xf32, #tpu.memory_space<hbm>>) dst(%arg6 : memref<128x128xf32, #tpu.memory_space<vmem>>)
    %mul3A_180 = arith.constant 12 : i32
    %mul3A_181 = arith.muli %add3A, %mul3A_180 : i32
    %add3A_182 = arith.constant 8 : i32
    %add3A_183 = arith.addi %mul3A_181, %add3A_182 : i32
    %mul3A_184 = arith.constant 128 : i32
    %mul3A_185 = arith.muli %add3A_183, %mul3A_184 : i32
    "tpu.region"() ({
      %run_scoped3A = tpu.sem_alloc : memref<!tpu.dma_semaphore, #tpu.memory_space<semaphore_mem>>
      %dma_start3A_239 = arith.constant 0 : i32
      %dma_start3A_240 = tpu.memref_slice %arg4[%mul3A_185, %dma_start3A_239] : memref<49152x128xf32, #tpu.memory_space<hbm>> -> memref<128x128xf32, #tpu.memory_space<hbm>>
      %dma_start3A_241 = arith.constant 0 : i32
      %dma_start3A_242 = tpu.memref_slice %arg4[%mul3A_185, %dma_start3A_241] : memref<49152x128xf32, #tpu.memory_space<hbm>> -> memref<128x128xf32, #tpu.memory_space<hbm>>
      tpu.enqueue_dma source(%arg6 : memref<128x128xf32, #tpu.memory_space<vmem>>) target(%dma_start3A_242 : memref<128x128xf32, #tpu.memory_space<hbm>>) target_semaphore(%run_scoped3A : memref<!tpu.dma_semaphore, #tpu.memory_space<semaphore_mem>>)
      %dma_wait3A_243 = arith.constant 0 : i32
      %dma_wait3A_244 = tpu.memref_slice %arg4[%mul3A_185, %dma_wait3A_243] : memref<49152x128xf32, #tpu.memory_space<hbm>> -> memref<128x128xf32, #tpu.memory_space<hbm>>
      %dma_wait3A_245 = arith.constant 0 : i32
      %dma_wait3A_246 = tpu.memref_slice %arg4[%mul3A_185, %dma_wait3A_245] : memref<49152x128xf32, #tpu.memory_space<hbm>> -> memref<128x128xf32, #tpu.memory_space<hbm>>
      tpu.wait_dma2 semaphore(%run_scoped3A : memref<!tpu.dma_semaphore, #tpu.memory_space<semaphore_mem>>) src(%arg6 : memref<128x128xf32, #tpu.memory_space<vmem>>) dst(%dma_wait3A_246 : memref<128x128xf32, #tpu.memory_space<hbm>>)
      tpu.yield
    }) : () -> ()
    %dma_start3A_186 = arith.constant 10 : i32
    %dma_start3A_187 = arith.constant 0 : i32
    %dma_start3A_188 = tpu.memref_slice %arg5[%dma_start3A_186, %dma_start3A_187] : memref<12x128xi32, #tpu.memory_space<vmem>> -> memref<1x128xi32, #tpu.memory_space<vmem>>
    %dma_start3A_189 = tpu.memref_squeeze %dma_start3A_188 : memref<1x128xi32, #tpu.memory_space<vmem>> -> memref<128xi32, #tpu.memory_space<vmem>>
    %dma_start3A_190 = arith.constant 0 : i32
    %dma_start3A_191 = arith.constant 0 : i32
    %dma_start3A_192 = tpu.memref_slice %arg2[%dma_start3A_190, %dma_start3A_191] : memref<4096x128xf32, #tpu.memory_space<hbm>> -> memref<4096x128xf32, #tpu.memory_space<hbm>>
    tpu.enqueue_indirect_dma source(%dma_start3A_192 : memref<4096x128xf32, #tpu.memory_space<hbm>>) target(%arg6 : memref<128x128xf32, #tpu.memory_space<vmem>>) offsets(%dma_start3A_189 : memref<128xi32, #tpu.memory_space<vmem>>) semaphore(%arg8 : memref<!tpu.dma_semaphore, #tpu.memory_space<semaphore_mem>>)
    %dma_wait3A_193 = arith.constant 9 : i32
    %dma_wait3A_194 = arith.constant 0 : i32
    %dma_wait3A_195 = tpu.memref_slice %arg5[%dma_wait3A_193, %dma_wait3A_194] : memref<12x128xi32, #tpu.memory_space<vmem>> -> memref<1x128xi32, #tpu.memory_space<vmem>>
    %dma_wait3A_196 = tpu.memref_squeeze %dma_wait3A_195 : memref<1x128xi32, #tpu.memory_space<vmem>> -> memref<128xi32, #tpu.memory_space<vmem>>
    %dma_wait3A_197 = arith.constant 0 : i32
    %dma_wait3A_198 = arith.constant 0 : i32
    %dma_wait3A_199 = tpu.memref_slice %arg2[%dma_wait3A_197, %dma_wait3A_198] : memref<4096x128xf32, #tpu.memory_space<hbm>> -> memref<4096x128xf32, #tpu.memory_space<hbm>>
    tpu.wait_indirect_dma semaphore(%arg9 : memref<!tpu.dma_semaphore, #tpu.memory_space<semaphore_mem>>) src(%dma_wait3A_199 : memref<4096x128xf32, #tpu.memory_space<hbm>>) dst(%arg7 : memref<128x128xf32, #tpu.memory_space<vmem>>)
    %mul3A_200 = arith.constant 12 : i32
    %mul3A_201 = arith.muli %add3A, %mul3A_200 : i32
    %add3A_202 = arith.constant 9 : i32
    %add3A_203 = arith.addi %mul3A_201, %add3A_202 : i32
    %mul3A_204 = arith.constant 128 : i32
    %mul3A_205 = arith.muli %add3A_203, %mul3A_204 : i32
    "tpu.region"() ({
      %run_scoped3A = tpu.sem_alloc : memref<!tpu.dma_semaphore, #tpu.memory_space<semaphore_mem>>
      %dma_start3A_239 = arith.constant 0 : i32
      %dma_start3A_240 = tpu.memref_slice %arg4[%mul3A_205, %dma_start3A_239] : memref<49152x128xf32, #tpu.memory_space<hbm>> -> memref<128x128xf32, #tpu.memory_space<hbm>>
      %dma_start3A_241 = arith.constant 0 : i32
      %dma_start3A_242 = tpu.memref_slice %arg4[%mul3A_205, %dma_start3A_241] : memref<49152x128xf32, #tpu.memory_space<hbm>> -> memref<128x128xf32, #tpu.memory_space<hbm>>
      tpu.enqueue_dma source(%arg7 : memref<128x128xf32, #tpu.memory_space<vmem>>) target(%dma_start3A_242 : memref<128x128xf32, #tpu.memory_space<hbm>>) target_semaphore(%run_scoped3A : memref<!tpu.dma_semaphore, #tpu.memory_space<semaphore_mem>>)
      %dma_wait3A_243 = arith.constant 0 : i32
      %dma_wait3A_244 = tpu.memref_slice %arg4[%mul3A_205, %dma_wait3A_243] : memref<49152x128xf32, #tpu.memory_space<hbm>> -> memref<128x128xf32, #tpu.memory_space<hbm>>
      %dma_wait3A_245 = arith.constant 0 : i32
      %dma_wait3A_246 = tpu.memref_slice %arg4[%mul3A_205, %dma_wait3A_245] : memref<49152x128xf32, #tpu.memory_space<hbm>> -> memref<128x128xf32, #tpu.memory_space<hbm>>
      tpu.wait_dma2 semaphore(%run_scoped3A : memref<!tpu.dma_semaphore, #tpu.memory_space<semaphore_mem>>) src(%arg7 : memref<128x128xf32, #tpu.memory_space<vmem>>) dst(%dma_wait3A_246 : memref<128x128xf32, #tpu.memory_space<hbm>>)
      tpu.yield
    }) : () -> ()
    %dma_start3A_206 = arith.constant 11 : i32
    %dma_start3A_207 = arith.constant 0 : i32
    %dma_start3A_208 = tpu.memref_slice %arg5[%dma_start3A_206, %dma_start3A_207] : memref<12x128xi32, #tpu.memory_space<vmem>> -> memref<1x128xi32, #tpu.memory_space<vmem>>
    %dma_start3A_209 = tpu.memref_squeeze %dma_start3A_208 : memref<1x128xi32, #tpu.memory_space<vmem>> -> memref<128xi32, #tpu.memory_space<vmem>>
    %dma_start3A_210 = arith.constant 0 : i32
    %dma_start3A_211 = arith.constant 0 : i32
    %dma_start3A_212 = tpu.memref_slice %arg2[%dma_start3A_210, %dma_start3A_211] : memref<4096x128xf32, #tpu.memory_space<hbm>> -> memref<4096x128xf32, #tpu.memory_space<hbm>>
    tpu.enqueue_indirect_dma source(%dma_start3A_212 : memref<4096x128xf32, #tpu.memory_space<hbm>>) target(%arg7 : memref<128x128xf32, #tpu.memory_space<vmem>>) offsets(%dma_start3A_209 : memref<128xi32, #tpu.memory_space<vmem>>) semaphore(%arg9 : memref<!tpu.dma_semaphore, #tpu.memory_space<semaphore_mem>>)
    %dma_wait3A_213 = arith.constant 10 : i32
    %dma_wait3A_214 = arith.constant 0 : i32
    %dma_wait3A_215 = tpu.memref_slice %arg5[%dma_wait3A_213, %dma_wait3A_214] : memref<12x128xi32, #tpu.memory_space<vmem>> -> memref<1x128xi32, #tpu.memory_space<vmem>>
    %dma_wait3A_216 = tpu.memref_squeeze %dma_wait3A_215 : memref<1x128xi32, #tpu.memory_space<vmem>> -> memref<128xi32, #tpu.memory_space<vmem>>
    %dma_wait3A_217 = arith.constant 0 : i32
    %dma_wait3A_218 = arith.constant 0 : i32
    %dma_wait3A_219 = tpu.memref_slice %arg2[%dma_wait3A_217, %dma_wait3A_218] : memref<4096x128xf32, #tpu.memory_space<hbm>> -> memref<4096x128xf32, #tpu.memory_space<hbm>>
    tpu.wait_indirect_dma semaphore(%arg8 : memref<!tpu.dma_semaphore, #tpu.memory_space<semaphore_mem>>) src(%dma_wait3A_219 : memref<4096x128xf32, #tpu.memory_space<hbm>>) dst(%arg6 : memref<128x128xf32, #tpu.memory_space<vmem>>)
    %mul3A_220 = arith.constant 12 : i32
    %mul3A_221 = arith.muli %add3A, %mul3A_220 : i32
    %add3A_222 = arith.constant 10 : i32
    %add3A_223 = arith.addi %mul3A_221, %add3A_222 : i32
    %mul3A_224 = arith.constant 128 : i32
    %mul3A_225 = arith.muli %add3A_223, %mul3A_224 : i32
    "tpu.region"() ({
      %run_scoped3A = tpu.sem_alloc : memref<!tpu.dma_semaphore, #tpu.memory_space<semaphore_mem>>
      %dma_start3A_239 = arith.constant 0 : i32
      %dma_start3A_240 = tpu.memref_slice %arg4[%mul3A_225, %dma_start3A_239] : memref<49152x128xf32, #tpu.memory_space<hbm>> -> memref<128x128xf32, #tpu.memory_space<hbm>>
      %dma_start3A_241 = arith.constant 0 : i32
      %dma_start3A_242 = tpu.memref_slice %arg4[%mul3A_225, %dma_start3A_241] : memref<49152x128xf32, #tpu.memory_space<hbm>> -> memref<128x128xf32, #tpu.memory_space<hbm>>
      tpu.enqueue_dma source(%arg6 : memref<128x128xf32, #tpu.memory_space<vmem>>) target(%dma_start3A_242 : memref<128x128xf32, #tpu.memory_space<hbm>>) target_semaphore(%run_scoped3A : memref<!tpu.dma_semaphore, #tpu.memory_space<semaphore_mem>>)
      %dma_wait3A_243 = arith.constant 0 : i32
      %dma_wait3A_244 = tpu.memref_slice %arg4[%mul3A_225, %dma_wait3A_243] : memref<49152x128xf32, #tpu.memory_space<hbm>> -> memref<128x128xf32, #tpu.memory_space<hbm>>
      %dma_wait3A_245 = arith.constant 0 : i32
      %dma_wait3A_246 = tpu.memref_slice %arg4[%mul3A_225, %dma_wait3A_245] : memref<49152x128xf32, #tpu.memory_space<hbm>> -> memref<128x128xf32, #tpu.memory_space<hbm>>
      tpu.wait_dma2 semaphore(%run_scoped3A : memref<!tpu.dma_semaphore, #tpu.memory_space<semaphore_mem>>) src(%arg6 : memref<128x128xf32, #tpu.memory_space<vmem>>) dst(%dma_wait3A_246 : memref<128x128xf32, #tpu.memory_space<hbm>>)
      tpu.yield
    }) : () -> ()
    %dma_wait3A_226 = arith.constant 11 : i32
    %dma_wait3A_227 = arith.constant 0 : i32
    %dma_wait3A_228 = tpu.memref_slice %arg5[%dma_wait3A_226, %dma_wait3A_227] : memref<12x128xi32, #tpu.memory_space<vmem>> -> memref<1x128xi32, #tpu.memory_space<vmem>>
    %dma_wait3A_229 = tpu.memref_squeeze %dma_wait3A_228 : memref<1x128xi32, #tpu.memory_space<vmem>> -> memref<128xi32, #tpu.memory_space<vmem>>
    %dma_wait3A_230 = arith.constant 0 : i32
    %dma_wait3A_231 = arith.constant 0 : i32
    %dma_wait3A_232 = tpu.memref_slice %arg2[%dma_wait3A_230, %dma_wait3A_231] : memref<4096x128xf32, #tpu.memory_space<hbm>> -> memref<4096x128xf32, #tpu.memory_space<hbm>>
    tpu.wait_indirect_dma semaphore(%arg9 : memref<!tpu.dma_semaphore, #tpu.memory_space<semaphore_mem>>) src(%dma_wait3A_232 : memref<4096x128xf32, #tpu.memory_space<hbm>>) dst(%arg7 : memref<128x128xf32, #tpu.memory_space<vmem>>)
    %mul3A_233 = arith.constant 12 : i32
    %mul3A_234 = arith.muli %add3A, %mul3A_233 : i32
    %add3A_235 = arith.constant 11 : i32
    %add3A_236 = arith.addi %mul3A_234, %add3A_235 : i32
    %mul3A_237 = arith.constant 128 : i32
    %mul3A_238 = arith.muli %add3A_236, %mul3A_237 : i32
    "tpu.region"() ({
      %run_scoped3A = tpu.sem_alloc : memref<!tpu.dma_semaphore, #tpu.memory_space<semaphore_mem>>
      %dma_start3A_239 = arith.constant 0 : i32
      %dma_start3A_240 = tpu.memref_slice %arg4[%mul3A_238, %dma_start3A_239] : memref<49152x128xf32, #tpu.memory_space<hbm>> -> memref<128x128xf32, #tpu.memory_space<hbm>>
      %dma_start3A_241 = arith.constant 0 : i32
      %dma_start3A_242 = tpu.memref_slice %arg4[%mul3A_238, %dma_start3A_241] : memref<49152x128xf32, #tpu.memory_space<hbm>> -> memref<128x128xf32, #tpu.memory_space<hbm>>
      tpu.enqueue_dma source(%arg7 : memref<128x128xf32, #tpu.memory_space<vmem>>) target(%dma_start3A_242 : memref<128x128xf32, #tpu.memory_space<hbm>>) target_semaphore(%run_scoped3A : memref<!tpu.dma_semaphore, #tpu.memory_space<semaphore_mem>>)
      %dma_wait3A_243 = arith.constant 0 : i32
      %dma_wait3A_244 = tpu.memref_slice %arg4[%mul3A_238, %dma_wait3A_243] : memref<49152x128xf32, #tpu.memory_space<hbm>> -> memref<128x128xf32, #tpu.memory_space<hbm>>
      %dma_wait3A_245 = arith.constant 0 : i32
      %dma_wait3A_246 = tpu.memref_slice %arg4[%mul3A_238, %dma_wait3A_245] : memref<49152x128xf32, #tpu.memory_space<hbm>> -> memref<128x128xf32, #tpu.memory_space<hbm>>
      tpu.wait_dma2 semaphore(%run_scoped3A : memref<!tpu.dma_semaphore, #tpu.memory_space<semaphore_mem>>) src(%arg7 : memref<128x128xf32, #tpu.memory_space<vmem>>) dst(%dma_wait3A_246 : memref<128x128xf32, #tpu.memory_space<hbm>>)
      tpu.yield
    }) : () -> ()
    return
  }
}

module attributes {stable_mosaic.version = 14 : i64} {
  func.func @_knn_body(%arg0: i32, %arg1: i32, %arg2: memref<1x1024x3xf32, #tpu.memory_space<vmem>>, %arg3: memref<1x3x2048xf32, #tpu.memory_space<vmem>>, %arg4: memref<1x2048x3xf32, #tpu.memory_space<vmem>>, %arg5: memref<1x2048x64xf32, #tpu.memory_space<vmem>>, %arg6: memref<3x1x1x1024xi32, #tpu.memory_space<vmem>>, %arg7: memref<1x1024x3xf32, #tpu.memory_space<vmem>>, %arg8: memref<2048x128xf32, #tpu.memory_space<vmem>>) attributes {dimension_semantics = [#tpu.dimension_semantics<arbitrary>, #tpu.dimension_semantics<arbitrary>], iteration_bounds = array<i64: 2, 8>, scalar_prefetch = 0 : i64, scratch_operands = 0 : i64, tpu.core_type = #tpu.core_type<tc>, window_params = [{transform_indices = @transform_0, window_bounds = array<i64: 1, 1024, 3>}, {transform_indices = @transform_1, window_bounds = array<i64: 1, 3, 2048>}, {transform_indices = @transform_2, window_bounds = array<i64: 1, 2048, 3>}, {transform_indices = @transform_3, window_bounds = array<i64: 1, 2048, 64>}, {transform_indices = @transform_4, window_bounds = array<i64: 3, 1, 1, 1024>}, {transform_indices = @transform_5, window_bounds = array<i64: 1, 1024, 3>}, {transform_indices = @transform_6, window_bounds = array<i64: 2048, 128>}]} {
    %eq3A = arith.constant 0 : i32
    %eq3A_0 = arith.cmpi eq, %arg1, %eq3A : i32
    %convert_element_type3A = arith.extui %eq3A_0 : i1 to i32
    %cond3A = arith.constant 0 : i32
    %cond3A_1 = arith.cmpi ne, %convert_element_type3A, %cond3A : i32
    scf.if %cond3A_1 {
      %get3A_301 = arith.constant 0 : index
      %get3A_302 = arith.constant 0 : index
      %get3A_303 = arith.constant 0 : index
      %get3A_304 = vector.load %arg4[%get3A_301, %get3A_302, %get3A_303] : memref<1x2048x3xf32, #tpu.memory_space<vmem>>, vector<1x2048x3xf32>
      %get3A_305 = vector.shape_cast %get3A_304 : vector<1x2048x3xf32> to vector<2048x3xf32>
      %swap3A_306 = arith.constant 0 : index
      %swap3A_307 = arith.constant 0 : index
      %swap3A_308 = vector.load %arg8[%swap3A_306, %swap3A_307] : memref<2048x128xf32, #tpu.memory_space<vmem>>, vector<2048x3xf32>
      tpu.vector_store %arg8[%swap3A_306, %swap3A_307], %get3A_305 {strides = array<i32>} : memref<2048x128xf32, #tpu.memory_space<vmem>>, vector<2048x3xf32>,
      %get3A_309 = arith.constant 0 : index
      %get3A_310 = arith.constant 0 : index
      %get3A_311 = arith.constant 0 : index
      %get3A_312 = vector.load %arg5[%get3A_309, %get3A_310, %get3A_311] : memref<1x2048x64xf32, #tpu.memory_space<vmem>>, vector<1x2048x64xf32>
      %get3A_313 = vector.shape_cast %get3A_312 : vector<1x2048x64xf32> to vector<2048x64xf32>
      %swap3A_314 = arith.constant 0 : index
      %swap3A_315 = arith.constant 3 : index
      %swap3A_316 = vector.load %arg8[%swap3A_314, %swap3A_315] : memref<2048x128xf32, #tpu.memory_space<vmem>>, vector<2048x64xf32>
      tpu.vector_store %arg8[%swap3A_314, %swap3A_315], %get3A_313 {strides = array<i32>} : memref<2048x128xf32, #tpu.memory_space<vmem>>, vector<2048x64xf32>,
      %broadcast_in_dim3A_317 = arith.constant 0.000000e+00 : f32
      %broadcast_in_dim3A_318 = vector.broadcast %broadcast_in_dim3A_317 : f32 to vector<2048x61xf32>
      %swap3A_319 = arith.constant 0 : index
      %swap3A_320 = arith.constant 67 : index
      %swap3A_321 = vector.load %arg8[%swap3A_319, %swap3A_320] : memref<2048x128xf32, #tpu.memory_space<vmem>>, vector<2048x61xf32>
      tpu.vector_store %arg8[%swap3A_319, %swap3A_320], %broadcast_in_dim3A_318 {strides = array<i32>} : memref<2048x128xf32, #tpu.memory_space<vmem>>, vector<2048x61xf32>,
    } else {
    }
    %get3A = arith.constant 0 : index
    %get3A_2 = arith.constant 0 : index
    %get3A_3 = arith.constant 0 : index
    %get3A_4 = vector.load %arg2[%get3A, %get3A_2, %get3A_3] : memref<1x1024x3xf32, #tpu.memory_space<vmem>>, vector<1x1024x3xf32>
    %get3A_5 = vector.shape_cast %get3A_4 : vector<1x1024x3xf32> to vector<1024x3xf32>
    %get3A_6 = arith.constant 0 : index
    %get3A_7 = arith.constant 0 : index
    %get3A_8 = arith.constant 0 : index
    %get3A_9 = vector.load %arg3[%get3A_6, %get3A_7, %get3A_8] : memref<1x3x2048xf32, #tpu.memory_space<vmem>>, vector<1x3x2048xf32>
    %get3A_10 = vector.shape_cast %get3A_9 : vector<1x3x2048xf32> to vector<3x2048xf32>
    %slice3A = vector.extract_strided_slice %get3A_5 {offsets = [0, 0], sizes = [1024, 1], strides = [1, 1]} : vector<1024x3xf32> to vector<1024x1xf32>
    %slice3A_11 = vector.extract_strided_slice %get3A_10 {offsets = [0, 0], sizes = [1, 2048], strides = [1, 1]} : vector<3x2048xf32> to vector<1x2048xf32>
    %sub3A = vector.broadcast %slice3A : vector<1024x1xf32> to vector<1024x2048xf32>
    %sub3A_12 = vector.broadcast %slice3A_11 : vector<1x2048xf32> to vector<1024x2048xf32>
    %sub3A_13 = arith.subf %sub3A, %sub3A_12 : vector<1024x2048xf32>
    %slice3A_14 = vector.extract_strided_slice %get3A_5 {offsets = [0, 1], sizes = [1024, 1], strides = [1, 1]} : vector<1024x3xf32> to vector<1024x1xf32>
    %slice3A_15 = vector.extract_strided_slice %get3A_10 {offsets = [1, 0], sizes = [1, 2048], strides = [1, 1]} : vector<3x2048xf32> to vector<1x2048xf32>
    %sub3A_16 = vector.broadcast %slice3A_14 : vector<1024x1xf32> to vector<1024x2048xf32>
    %sub3A_17 = vector.broadcast %slice3A_15 : vector<1x2048xf32> to vector<1024x2048xf32>
    %sub3A_18 = arith.subf %sub3A_16, %sub3A_17 : vector<1024x2048xf32>
    %slice3A_19 = vector.extract_strided_slice %get3A_5 {offsets = [0, 2], sizes = [1024, 1], strides = [1, 1]} : vector<1024x3xf32> to vector<1024x1xf32>
    %slice3A_20 = vector.extract_strided_slice %get3A_10 {offsets = [2, 0], sizes = [1, 2048], strides = [1, 1]} : vector<3x2048xf32> to vector<1x2048xf32>
    %sub3A_21 = vector.broadcast %slice3A_19 : vector<1024x1xf32> to vector<1024x2048xf32>
    %sub3A_22 = vector.broadcast %slice3A_20 : vector<1x2048xf32> to vector<1024x2048xf32>
    %sub3A_23 = arith.subf %sub3A_21, %sub3A_22 : vector<1024x2048xf32>
    %mul3A = arith.mulf %sub3A_13, %sub3A_13 : vector<1024x2048xf32>
    %mul3A_24 = arith.mulf %sub3A_18, %sub3A_18 : vector<1024x2048xf32>
    %add3A = arith.addf %mul3A, %mul3A_24 : vector<1024x2048xf32>
    %mul3A_25 = arith.mulf %sub3A_23, %sub3A_23 : vector<1024x2048xf32>
    %add3A_26 = arith.addf %add3A, %mul3A_25 : vector<1024x2048xf32>
    %iota3A = tpu.iota {dimensions = array<i32: 1>} : vector<1024x2048xi32>
    %convert_element_type3A_27 = arith.sitofp %iota3A : vector<1024x2048xi32> to vector<1024x2048xf32>
    %slice3A_28 = vector.extract_strided_slice %add3A_26 {offsets = [0, 0], sizes = [1024, 128], strides = [1, 1]} : vector<1024x2048xf32> to vector<1024x128xf32>
    %slice3A_29 = vector.extract_strided_slice %add3A_26 {offsets = [0, 128], sizes = [1024, 128], strides = [1, 1]} : vector<1024x2048xf32> to vector<1024x128xf32>
    %min3A = arith.minimumf %slice3A_28, %slice3A_29 : vector<1024x128xf32>
    %slice3A_30 = vector.extract_strided_slice %add3A_26 {offsets = [0, 256], sizes = [1024, 128], strides = [1, 1]} : vector<1024x2048xf32> to vector<1024x128xf32>
    %min3A_31 = arith.minimumf %min3A, %slice3A_30 : vector<1024x128xf32>
    %slice3A_32 = vector.extract_strided_slice %add3A_26 {offsets = [0, 384], sizes = [1024, 128], strides = [1, 1]} : vector<1024x2048xf32> to vector<1024x128xf32>
    %min3A_33 = arith.minimumf %min3A_31, %slice3A_32 : vector<1024x128xf32>
    %slice3A_34 = vector.extract_strided_slice %add3A_26 {offsets = [0, 512], sizes = [1024, 128], strides = [1, 1]} : vector<1024x2048xf32> to vector<1024x128xf32>
    %min3A_35 = arith.minimumf %min3A_33, %slice3A_34 : vector<1024x128xf32>
    %slice3A_36 = vector.extract_strided_slice %add3A_26 {offsets = [0, 640], sizes = [1024, 128], strides = [1, 1]} : vector<1024x2048xf32> to vector<1024x128xf32>
    %min3A_37 = arith.minimumf %min3A_35, %slice3A_36 : vector<1024x128xf32>
    %slice3A_38 = vector.extract_strided_slice %add3A_26 {offsets = [0, 768], sizes = [1024, 128], strides = [1, 1]} : vector<1024x2048xf32> to vector<1024x128xf32>
    %min3A_39 = arith.minimumf %min3A_37, %slice3A_38 : vector<1024x128xf32>
    %slice3A_40 = vector.extract_strided_slice %add3A_26 {offsets = [0, 896], sizes = [1024, 128], strides = [1, 1]} : vector<1024x2048xf32> to vector<1024x128xf32>
    %min3A_41 = arith.minimumf %min3A_39, %slice3A_40 : vector<1024x128xf32>
    %slice3A_42 = vector.extract_strided_slice %add3A_26 {offsets = [0, 1024], sizes = [1024, 128], strides = [1, 1]} : vector<1024x2048xf32> to vector<1024x128xf32>
    %min3A_43 = arith.minimumf %min3A_41, %slice3A_42 : vector<1024x128xf32>
    %slice3A_44 = vector.extract_strided_slice %add3A_26 {offsets = [0, 1152], sizes = [1024, 128], strides = [1, 1]} : vector<1024x2048xf32> to vector<1024x128xf32>
    %min3A_45 = arith.minimumf %min3A_43, %slice3A_44 : vector<1024x128xf32>
    %slice3A_46 = vector.extract_strided_slice %add3A_26 {offsets = [0, 1280], sizes = [1024, 128], strides = [1, 1]} : vector<1024x2048xf32> to vector<1024x128xf32>
    %min3A_47 = arith.minimumf %min3A_45, %slice3A_46 : vector<1024x128xf32>
    %slice3A_48 = vector.extract_strided_slice %add3A_26 {offsets = [0, 1408], sizes = [1024, 128], strides = [1, 1]} : vector<1024x2048xf32> to vector<1024x128xf32>
    %min3A_49 = arith.minimumf %min3A_47, %slice3A_48 : vector<1024x128xf32>
    %slice3A_50 = vector.extract_strided_slice %add3A_26 {offsets = [0, 1536], sizes = [1024, 128], strides = [1, 1]} : vector<1024x2048xf32> to vector<1024x128xf32>
    %min3A_51 = arith.minimumf %min3A_49, %slice3A_50 : vector<1024x128xf32>
    %slice3A_52 = vector.extract_strided_slice %add3A_26 {offsets = [0, 1664], sizes = [1024, 128], strides = [1, 1]} : vector<1024x2048xf32> to vector<1024x128xf32>
    %min3A_53 = arith.minimumf %min3A_51, %slice3A_52 : vector<1024x128xf32>
    %slice3A_54 = vector.extract_strided_slice %add3A_26 {offsets = [0, 1792], sizes = [1024, 128], strides = [1, 1]} : vector<1024x2048xf32> to vector<1024x128xf32>
    %min3A_55 = arith.minimumf %min3A_53, %slice3A_54 : vector<1024x128xf32>
    %slice3A_56 = vector.extract_strided_slice %add3A_26 {offsets = [0, 1920], sizes = [1024, 128], strides = [1, 1]} : vector<1024x2048xf32> to vector<1024x128xf32>
    %min3A_57 = arith.minimumf %min3A_55, %slice3A_56 : vector<1024x128xf32>
    %reduce_min3A = arith.constant dense<0x7F800000> : vector<1024xf32>
    %reduce_min3A_58 = vector.multi_reduction <minimumf>, %min3A_57, %reduce_min3A [1] : vector<1024x128xf32> to vector<1024xf32>
    %broadcast_in_dim3A = vector.shape_cast %reduce_min3A_58 : vector<1024xf32> to vector<1024x1xf32>
    %eq3A_59 = vector.broadcast %broadcast_in_dim3A : vector<1024x1xf32> to vector<1024x2048xf32>
    %eq3A_60 = arith.cmpf oeq, %add3A_26, %eq3A_59 : vector<1024x2048xf32>
    %jit3A = arith.constant 2.048000e+03 : f32
    %broadcast_in_dim3A_61 = vector.broadcast %jit3A : f32 to vector<1024x2048xf32>
    %select_n3A = arith.select %eq3A_60, %convert_element_type3A_27, %broadcast_in_dim3A_61 : vector<1024x2048xi1>, vector<1024x2048xf32>
    %slice3A_62 = vector.extract_strided_slice %select_n3A {offsets = [0, 0], sizes = [1024, 128], strides = [1, 1]} : vector<1024x2048xf32> to vector<1024x128xf32>
    %slice3A_63 = vector.extract_strided_slice %select_n3A {offsets = [0, 128], sizes = [1024, 128], strides = [1, 1]} : vector<1024x2048xf32> to vector<1024x128xf32>
    %min3A_64 = arith.minimumf %slice3A_62, %slice3A_63 : vector<1024x128xf32>
    %slice3A_65 = vector.extract_strided_slice %select_n3A {offsets = [0, 256], sizes = [1024, 128], strides = [1, 1]} : vector<1024x2048xf32> to vector<1024x128xf32>
    %min3A_66 = arith.minimumf %min3A_64, %slice3A_65 : vector<1024x128xf32>
    %slice3A_67 = vector.extract_strided_slice %select_n3A {offsets = [0, 384], sizes = [1024, 128], strides = [1, 1]} : vector<1024x2048xf32> to vector<1024x128xf32>
    %min3A_68 = arith.minimumf %min3A_66, %slice3A_67 : vector<1024x128xf32>
    %slice3A_69 = vector.extract_strided_slice %select_n3A {offsets = [0, 512], sizes = [1024, 128], strides = [1, 1]} : vector<1024x2048xf32> to vector<1024x128xf32>
    %min3A_70 = arith.minimumf %min3A_68, %slice3A_69 : vector<1024x128xf32>
    %slice3A_71 = vector.extract_strided_slice %select_n3A {offsets = [0, 640], sizes = [1024, 128], strides = [1, 1]} : vector<1024x2048xf32> to vector<1024x128xf32>
    %min3A_72 = arith.minimumf %min3A_70, %slice3A_71 : vector<1024x128xf32>
    %slice3A_73 = vector.extract_strided_slice %select_n3A {offsets = [0, 768], sizes = [1024, 128], strides = [1, 1]} : vector<1024x2048xf32> to vector<1024x128xf32>
    %min3A_74 = arith.minimumf %min3A_72, %slice3A_73 : vector<1024x128xf32>
    %slice3A_75 = vector.extract_strided_slice %select_n3A {offsets = [0, 896], sizes = [1024, 128], strides = [1, 1]} : vector<1024x2048xf32> to vector<1024x128xf32>
    %min3A_76 = arith.minimumf %min3A_74, %slice3A_75 : vector<1024x128xf32>
    %slice3A_77 = vector.extract_strided_slice %select_n3A {offsets = [0, 1024], sizes = [1024, 128], strides = [1, 1]} : vector<1024x2048xf32> to vector<1024x128xf32>
    %min3A_78 = arith.minimumf %min3A_76, %slice3A_77 : vector<1024x128xf32>
    %slice3A_79 = vector.extract_strided_slice %select_n3A {offsets = [0, 1152], sizes = [1024, 128], strides = [1, 1]} : vector<1024x2048xf32> to vector<1024x128xf32>
    %min3A_80 = arith.minimumf %min3A_78, %slice3A_79 : vector<1024x128xf32>
    %slice3A_81 = vector.extract_strided_slice %select_n3A {offsets = [0, 1280], sizes = [1024, 128], strides = [1, 1]} : vector<1024x2048xf32> to vector<1024x128xf32>
    %min3A_82 = arith.minimumf %min3A_80, %slice3A_81 : vector<1024x128xf32>
    %slice3A_83 = vector.extract_strided_slice %select_n3A {offsets = [0, 1408], sizes = [1024, 128], strides = [1, 1]} : vector<1024x2048xf32> to vector<1024x128xf32>
    %min3A_84 = arith.minimumf %min3A_82, %slice3A_83 : vector<1024x128xf32>
    %slice3A_85 = vector.extract_strided_slice %select_n3A {offsets = [0, 1536], sizes = [1024, 128], strides = [1, 1]} : vector<1024x2048xf32> to vector<1024x128xf32>
    %min3A_86 = arith.minimumf %min3A_84, %slice3A_85 : vector<1024x128xf32>
    %slice3A_87 = vector.extract_strided_slice %select_n3A {offsets = [0, 1664], sizes = [1024, 128], strides = [1, 1]} : vector<1024x2048xf32> to vector<1024x128xf32>
    %min3A_88 = arith.minimumf %min3A_86, %slice3A_87 : vector<1024x128xf32>
    %slice3A_89 = vector.extract_strided_slice %select_n3A {offsets = [0, 1792], sizes = [1024, 128], strides = [1, 1]} : vector<1024x2048xf32> to vector<1024x128xf32>
    %min3A_90 = arith.minimumf %min3A_88, %slice3A_89 : vector<1024x128xf32>
    %slice3A_91 = vector.extract_strided_slice %select_n3A {offsets = [0, 1920], sizes = [1024, 128], strides = [1, 1]} : vector<1024x2048xf32> to vector<1024x128xf32>
    %min3A_92 = arith.minimumf %min3A_90, %slice3A_91 : vector<1024x128xf32>
    %reduce_min3A_93 = arith.constant dense<0x7F800000> : vector<1024xf32>
    %reduce_min3A_94 = vector.multi_reduction <minimumf>, %min3A_92, %reduce_min3A_93 [1] : vector<1024x128xf32> to vector<1024xf32>
    %broadcast_in_dim3A_95 = vector.shape_cast %reduce_min3A_94 : vector<1024xf32> to vector<1024x1xf32>
    %convert_element_type3A_96 = arith.fptosi %broadcast_in_dim3A_95 : vector<1024x1xf32> to vector<1024x1xi32>
    %eq3A_97 = vector.broadcast %broadcast_in_dim3A_95 : vector<1024x1xf32> to vector<1024x2048xf32>
    %eq3A_98 = arith.cmpf oeq, %convert_element_type3A_27, %eq3A_97 : vector<1024x2048xf32>
    %jit3A_99 = arith.constant 0x7F800000 : f32
    %broadcast_in_dim3A_100 = vector.broadcast %jit3A_99 : f32 to vector<1024x2048xf32>
    %select_n3A_101 = arith.select %eq3A_98, %broadcast_in_dim3A_100, %add3A_26 : vector<1024x2048xi1>, vector<1024x2048xf32>
    %slice3A_102 = vector.extract_strided_slice %select_n3A_101 {offsets = [0, 0], sizes = [1024, 128], strides = [1, 1]} : vector<1024x2048xf32> to vector<1024x128xf32>
    %slice3A_103 = vector.extract_strided_slice %select_n3A_101 {offsets = [0, 128], sizes = [1024, 128], strides = [1, 1]} : vector<1024x2048xf32> to vector<1024x128xf32>
    %min3A_104 = arith.minimumf %slice3A_102, %slice3A_103 : vector<1024x128xf32>
    %slice3A_105 = vector.extract_strided_slice %select_n3A_101 {offsets = [0, 256], sizes = [1024, 128], strides = [1, 1]} : vector<1024x2048xf32> to vector<1024x128xf32>
    %min3A_106 = arith.minimumf %min3A_104, %slice3A_105 : vector<1024x128xf32>
    %slice3A_107 = vector.extract_strided_slice %select_n3A_101 {offsets = [0, 384], sizes = [1024, 128], strides = [1, 1]} : vector<1024x2048xf32> to vector<1024x128xf32>
    %min3A_108 = arith.minimumf %min3A_106, %slice3A_107 : vector<1024x128xf32>
    %slice3A_109 = vector.extract_strided_slice %select_n3A_101 {offsets = [0, 512], sizes = [1024, 128], strides = [1, 1]} : vector<1024x2048xf32> to vector<1024x128xf32>
    %min3A_110 = arith.minimumf %min3A_108, %slice3A_109 : vector<1024x128xf32>
    %slice3A_111 = vector.extract_strided_slice %select_n3A_101 {offsets = [0, 640], sizes = [1024, 128], strides = [1, 1]} : vector<1024x2048xf32> to vector<1024x128xf32>
    %min3A_112 = arith.minimumf %min3A_110, %slice3A_111 : vector<1024x128xf32>
    %slice3A_113 = vector.extract_strided_slice %select_n3A_101 {offsets = [0, 768], sizes = [1024, 128], strides = [1, 1]} : vector<1024x2048xf32> to vector<1024x128xf32>
    %min3A_114 = arith.minimumf %min3A_112, %slice3A_113 : vector<1024x128xf32>
    %slice3A_115 = vector.extract_strided_slice %select_n3A_101 {offsets = [0, 896], sizes = [1024, 128], strides = [1, 1]} : vector<1024x2048xf32> to vector<1024x128xf32>
    %min3A_116 = arith.minimumf %min3A_114, %slice3A_115 : vector<1024x128xf32>
    %slice3A_117 = vector.extract_strided_slice %select_n3A_101 {offsets = [0, 1024], sizes = [1024, 128], strides = [1, 1]} : vector<1024x2048xf32> to vector<1024x128xf32>
    %min3A_118 = arith.minimumf %min3A_116, %slice3A_117 : vector<1024x128xf32>
    %slice3A_119 = vector.extract_strided_slice %select_n3A_101 {offsets = [0, 1152], sizes = [1024, 128], strides = [1, 1]} : vector<1024x2048xf32> to vector<1024x128xf32>
    %min3A_120 = arith.minimumf %min3A_118, %slice3A_119 : vector<1024x128xf32>
    %slice3A_121 = vector.extract_strided_slice %select_n3A_101 {offsets = [0, 1280], sizes = [1024, 128], strides = [1, 1]} : vector<1024x2048xf32> to vector<1024x128xf32>
    %min3A_122 = arith.minimumf %min3A_120, %slice3A_121 : vector<1024x128xf32>
    %slice3A_123 = vector.extract_strided_slice %select_n3A_101 {offsets = [0, 1408], sizes = [1024, 128], strides = [1, 1]} : vector<1024x2048xf32> to vector<1024x128xf32>
    %min3A_124 = arith.minimumf %min3A_122, %slice3A_123 : vector<1024x128xf32>
    %slice3A_125 = vector.extract_strided_slice %select_n3A_101 {offsets = [0, 1536], sizes = [1024, 128], strides = [1, 1]} : vector<1024x2048xf32> to vector<1024x128xf32>
    %min3A_126 = arith.minimumf %min3A_124, %slice3A_125 : vector<1024x128xf32>
    %slice3A_127 = vector.extract_strided_slice %select_n3A_101 {offsets = [0, 1664], sizes = [1024, 128], strides = [1, 1]} : vector<1024x2048xf32> to vector<1024x128xf32>
    %min3A_128 = arith.minimumf %min3A_126, %slice3A_127 : vector<1024x128xf32>
    %slice3A_129 = vector.extract_strided_slice %select_n3A_101 {offsets = [0, 1792], sizes = [1024, 128], strides = [1, 1]} : vector<1024x2048xf32> to vector<1024x128xf32>
    %min3A_130 = arith.minimumf %min3A_128, %slice3A_129 : vector<1024x128xf32>
    %slice3A_131 = vector.extract_strided_slice %select_n3A_101 {offsets = [0, 1920], sizes = [1024, 128], strides = [1, 1]} : vector<1024x2048xf32> to vector<1024x128xf32>
    %min3A_132 = arith.minimumf %min3A_130, %slice3A_131 : vector<1024x128xf32>
    %reduce_min3A_133 = arith.constant dense<0x7F800000> : vector<1024xf32>
    %reduce_min3A_134 = vector.multi_reduction <minimumf>, %min3A_132, %reduce_min3A_133 [1] : vector<1024x128xf32> to vector<1024xf32>
    %broadcast_in_dim3A_135 = vector.shape_cast %reduce_min3A_134 : vector<1024xf32> to vector<1024x1xf32>
    %eq3A_136 = vector.broadcast %broadcast_in_dim3A_135 : vector<1024x1xf32> to vector<1024x2048xf32>
    %eq3A_137 = arith.cmpf oeq, %select_n3A_101, %eq3A_136 : vector<1024x2048xf32>
    %jit3A_138 = arith.constant 2.048000e+03 : f32
    %broadcast_in_dim3A_139 = vector.broadcast %jit3A_138 : f32 to vector<1024x2048xf32>
    %select_n3A_140 = arith.select %eq3A_137, %convert_element_type3A_27, %broadcast_in_dim3A_139 : vector<1024x2048xi1>, vector<1024x2048xf32>
    %slice3A_141 = vector.extract_strided_slice %select_n3A_140 {offsets = [0, 0], sizes = [1024, 128], strides = [1, 1]} : vector<1024x2048xf32> to vector<1024x128xf32>
    %slice3A_142 = vector.extract_strided_slice %select_n3A_140 {offsets = [0, 128], sizes = [1024, 128], strides = [1, 1]} : vector<1024x2048xf32> to vector<1024x128xf32>
    %min3A_143 = arith.minimumf %slice3A_141, %slice3A_142 : vector<1024x128xf32>
    %slice3A_144 = vector.extract_strided_slice %select_n3A_140 {offsets = [0, 256], sizes = [1024, 128], strides = [1, 1]} : vector<1024x2048xf32> to vector<1024x128xf32>
    %min3A_145 = arith.minimumf %min3A_143, %slice3A_144 : vector<1024x128xf32>
    %slice3A_146 = vector.extract_strided_slice %select_n3A_140 {offsets = [0, 384], sizes = [1024, 128], strides = [1, 1]} : vector<1024x2048xf32> to vector<1024x128xf32>
    %min3A_147 = arith.minimumf %min3A_145, %slice3A_146 : vector<1024x128xf32>
    %slice3A_148 = vector.extract_strided_slice %select_n3A_140 {offsets = [0, 512], sizes = [1024, 128], strides = [1, 1]} : vector<1024x2048xf32> to vector<1024x128xf32>
    %min3A_149 = arith.minimumf %min3A_147, %slice3A_148 : vector<1024x128xf32>
    %slice3A_150 = vector.extract_strided_slice %select_n3A_140 {offsets = [0, 640], sizes = [1024, 128], strides = [1, 1]} : vector<1024x2048xf32> to vector<1024x128xf32>
    %min3A_151 = arith.minimumf %min3A_149, %slice3A_150 : vector<1024x128xf32>
    %slice3A_152 = vector.extract_strided_slice %select_n3A_140 {offsets = [0, 768], sizes = [1024, 128], strides = [1, 1]} : vector<1024x2048xf32> to vector<1024x128xf32>
    %min3A_153 = arith.minimumf %min3A_151, %slice3A_152 : vector<1024x128xf32>
    %slice3A_154 = vector.extract_strided_slice %select_n3A_140 {offsets = [0, 896], sizes = [1024, 128], strides = [1, 1]} : vector<1024x2048xf32> to vector<1024x128xf32>
    %min3A_155 = arith.minimumf %min3A_153, %slice3A_154 : vector<1024x128xf32>
    %slice3A_156 = vector.extract_strided_slice %select_n3A_140 {offsets = [0, 1024], sizes = [1024, 128], strides = [1, 1]} : vector<1024x2048xf32> to vector<1024x128xf32>
    %min3A_157 = arith.minimumf %min3A_155, %slice3A_156 : vector<1024x128xf32>
    %slice3A_158 = vector.extract_strided_slice %select_n3A_140 {offsets = [0, 1152], sizes = [1024, 128], strides = [1, 1]} : vector<1024x2048xf32> to vector<1024x128xf32>
    %min3A_159 = arith.minimumf %min3A_157, %slice3A_158 : vector<1024x128xf32>
    %slice3A_160 = vector.extract_strided_slice %select_n3A_140 {offsets = [0, 1280], sizes = [1024, 128], strides = [1, 1]} : vector<1024x2048xf32> to vector<1024x128xf32>
    %min3A_161 = arith.minimumf %min3A_159, %slice3A_160 : vector<1024x128xf32>
    %slice3A_162 = vector.extract_strided_slice %select_n3A_140 {offsets = [0, 1408], sizes = [1024, 128], strides = [1, 1]} : vector<1024x2048xf32> to vector<1024x128xf32>
    %min3A_163 = arith.minimumf %min3A_161, %slice3A_162 : vector<1024x128xf32>
    %slice3A_164 = vector.extract_strided_slice %select_n3A_140 {offsets = [0, 1536], sizes = [1024, 128], strides = [1, 1]} : vector<1024x2048xf32> to vector<1024x128xf32>
    %min3A_165 = arith.minimumf %min3A_163, %slice3A_164 : vector<1024x128xf32>
    %slice3A_166 = vector.extract_strided_slice %select_n3A_140 {offsets = [0, 1664], sizes = [1024, 128], strides = [1, 1]} : vector<1024x2048xf32> to vector<1024x128xf32>
    %min3A_167 = arith.minimumf %min3A_165, %slice3A_166 : vector<1024x128xf32>
    %slice3A_168 = vector.extract_strided_slice %select_n3A_140 {offsets = [0, 1792], sizes = [1024, 128], strides = [1, 1]} : vector<1024x2048xf32> to vector<1024x128xf32>
    %min3A_169 = arith.minimumf %min3A_167, %slice3A_168 : vector<1024x128xf32>
    %slice3A_170 = vector.extract_strided_slice %select_n3A_140 {offsets = [0, 1920], sizes = [1024, 128], strides = [1, 1]} : vector<1024x2048xf32> to vector<1024x128xf32>
    %min3A_171 = arith.minimumf %min3A_169, %slice3A_170 : vector<1024x128xf32>
    %reduce_min3A_172 = arith.constant dense<0x7F800000> : vector<1024xf32>
    %reduce_min3A_173 = vector.multi_reduction <minimumf>, %min3A_171, %reduce_min3A_172 [1] : vector<1024x128xf32> to vector<1024xf32>
    %broadcast_in_dim3A_174 = vector.shape_cast %reduce_min3A_173 : vector<1024xf32> to vector<1024x1xf32>
    %convert_element_type3A_175 = arith.fptosi %broadcast_in_dim3A_174 : vector<1024x1xf32> to vector<1024x1xi32>
    %eq3A_176 = vector.broadcast %broadcast_in_dim3A_174 : vector<1024x1xf32> to vector<1024x2048xf32>
    %eq3A_177 = arith.cmpf oeq, %convert_element_type3A_27, %eq3A_176 : vector<1024x2048xf32>
    %jit3A_178 = arith.constant 0x7F800000 : f32
    %broadcast_in_dim3A_179 = vector.broadcast %jit3A_178 : f32 to vector<1024x2048xf32>
    %select_n3A_180 = arith.select %eq3A_177, %broadcast_in_dim3A_179, %select_n3A_101 : vector<1024x2048xi1>, vector<1024x2048xf32>
    %slice3A_181 = vector.extract_strided_slice %select_n3A_180 {offsets = [0, 0], sizes = [1024, 128], strides = [1, 1]} : vector<1024x2048xf32> to vector<1024x128xf32>
    %slice3A_182 = vector.extract_strided_slice %select_n3A_180 {offsets = [0, 128], sizes = [1024, 128], strides = [1, 1]} : vector<1024x2048xf32> to vector<1024x128xf32>
    %min3A_183 = arith.minimumf %slice3A_181, %slice3A_182 : vector<1024x128xf32>
    %slice3A_184 = vector.extract_strided_slice %select_n3A_180 {offsets = [0, 256], sizes = [1024, 128], strides = [1, 1]} : vector<1024x2048xf32> to vector<1024x128xf32>
    %min3A_185 = arith.minimumf %min3A_183, %slice3A_184 : vector<1024x128xf32>
    %slice3A_186 = vector.extract_strided_slice %select_n3A_180 {offsets = [0, 384], sizes = [1024, 128], strides = [1, 1]} : vector<1024x2048xf32> to vector<1024x128xf32>
    %min3A_187 = arith.minimumf %min3A_185, %slice3A_186 : vector<1024x128xf32>
    %slice3A_188 = vector.extract_strided_slice %select_n3A_180 {offsets = [0, 512], sizes = [1024, 128], strides = [1, 1]} : vector<1024x2048xf32> to vector<1024x128xf32>
    %min3A_189 = arith.minimumf %min3A_187, %slice3A_188 : vector<1024x128xf32>
    %slice3A_190 = vector.extract_strided_slice %select_n3A_180 {offsets = [0, 640], sizes = [1024, 128], strides = [1, 1]} : vector<1024x2048xf32> to vector<1024x128xf32>
    %min3A_191 = arith.minimumf %min3A_189, %slice3A_190 : vector<1024x128xf32>
    %slice3A_192 = vector.extract_strided_slice %select_n3A_180 {offsets = [0, 768], sizes = [1024, 128], strides = [1, 1]} : vector<1024x2048xf32> to vector<1024x128xf32>
    %min3A_193 = arith.minimumf %min3A_191, %slice3A_192 : vector<1024x128xf32>
    %slice3A_194 = vector.extract_strided_slice %select_n3A_180 {offsets = [0, 896], sizes = [1024, 128], strides = [1, 1]} : vector<1024x2048xf32> to vector<1024x128xf32>
    %min3A_195 = arith.minimumf %min3A_193, %slice3A_194 : vector<1024x128xf32>
    %slice3A_196 = vector.extract_strided_slice %select_n3A_180 {offsets = [0, 1024], sizes = [1024, 128], strides = [1, 1]} : vector<1024x2048xf32> to vector<1024x128xf32>
    %min3A_197 = arith.minimumf %min3A_195, %slice3A_196 : vector<1024x128xf32>
    %slice3A_198 = vector.extract_strided_slice %select_n3A_180 {offsets = [0, 1152], sizes = [1024, 128], strides = [1, 1]} : vector<1024x2048xf32> to vector<1024x128xf32>
    %min3A_199 = arith.minimumf %min3A_197, %slice3A_198 : vector<1024x128xf32>
    %slice3A_200 = vector.extract_strided_slice %select_n3A_180 {offsets = [0, 1280], sizes = [1024, 128], strides = [1, 1]} : vector<1024x2048xf32> to vector<1024x128xf32>
    %min3A_201 = arith.minimumf %min3A_199, %slice3A_200 : vector<1024x128xf32>
    %slice3A_202 = vector.extract_strided_slice %select_n3A_180 {offsets = [0, 1408], sizes = [1024, 128], strides = [1, 1]} : vector<1024x2048xf32> to vector<1024x128xf32>
    %min3A_203 = arith.minimumf %min3A_201, %slice3A_202 : vector<1024x128xf32>
    %slice3A_204 = vector.extract_strided_slice %select_n3A_180 {offsets = [0, 1536], sizes = [1024, 128], strides = [1, 1]} : vector<1024x2048xf32> to vector<1024x128xf32>
    %min3A_205 = arith.minimumf %min3A_203, %slice3A_204 : vector<1024x128xf32>
    %slice3A_206 = vector.extract_strided_slice %select_n3A_180 {offsets = [0, 1664], sizes = [1024, 128], strides = [1, 1]} : vector<1024x2048xf32> to vector<1024x128xf32>
    %min3A_207 = arith.minimumf %min3A_205, %slice3A_206 : vector<1024x128xf32>
    %slice3A_208 = vector.extract_strided_slice %select_n3A_180 {offsets = [0, 1792], sizes = [1024, 128], strides = [1, 1]} : vector<1024x2048xf32> to vector<1024x128xf32>
    %min3A_209 = arith.minimumf %min3A_207, %slice3A_208 : vector<1024x128xf32>
    %slice3A_210 = vector.extract_strided_slice %select_n3A_180 {offsets = [0, 1920], sizes = [1024, 128], strides = [1, 1]} : vector<1024x2048xf32> to vector<1024x128xf32>
    %min3A_211 = arith.minimumf %min3A_209, %slice3A_210 : vector<1024x128xf32>
    %reduce_min3A_212 = arith.constant dense<0x7F800000> : vector<1024xf32>
    %reduce_min3A_213 = vector.multi_reduction <minimumf>, %min3A_211, %reduce_min3A_212 [1] : vector<1024x128xf32> to vector<1024xf32>
    %broadcast_in_dim3A_214 = vector.shape_cast %reduce_min3A_213 : vector<1024xf32> to vector<1024x1xf32>
    %eq3A_215 = vector.broadcast %broadcast_in_dim3A_214 : vector<1024x1xf32> to vector<1024x2048xf32>
    %eq3A_216 = arith.cmpf oeq, %select_n3A_180, %eq3A_215 : vector<1024x2048xf32>
    %jit3A_217 = arith.constant 2.048000e+03 : f32
    %broadcast_in_dim3A_218 = vector.broadcast %jit3A_217 : f32 to vector<1024x2048xf32>
    %select_n3A_219 = arith.select %eq3A_216, %convert_element_type3A_27, %broadcast_in_dim3A_218 : vector<1024x2048xi1>, vector<1024x2048xf32>
    %slice3A_220 = vector.extract_strided_slice %select_n3A_219 {offsets = [0, 0], sizes = [1024, 128], strides = [1, 1]} : vector<1024x2048xf32> to vector<1024x128xf32>
    %slice3A_221 = vector.extract_strided_slice %select_n3A_219 {offsets = [0, 128], sizes = [1024, 128], strides = [1, 1]} : vector<1024x2048xf32> to vector<1024x128xf32>
    %min3A_222 = arith.minimumf %slice3A_220, %slice3A_221 : vector<1024x128xf32>
    %slice3A_223 = vector.extract_strided_slice %select_n3A_219 {offsets = [0, 256], sizes = [1024, 128], strides = [1, 1]} : vector<1024x2048xf32> to vector<1024x128xf32>
    %min3A_224 = arith.minimumf %min3A_222, %slice3A_223 : vector<1024x128xf32>
    %slice3A_225 = vector.extract_strided_slice %select_n3A_219 {offsets = [0, 384], sizes = [1024, 128], strides = [1, 1]} : vector<1024x2048xf32> to vector<1024x128xf32>
    %min3A_226 = arith.minimumf %min3A_224, %slice3A_225 : vector<1024x128xf32>
    %slice3A_227 = vector.extract_strided_slice %select_n3A_219 {offsets = [0, 512], sizes = [1024, 128], strides = [1, 1]} : vector<1024x2048xf32> to vector<1024x128xf32>
    %min3A_228 = arith.minimumf %min3A_226, %slice3A_227 : vector<1024x128xf32>
    %slice3A_229 = vector.extract_strided_slice %select_n3A_219 {offsets = [0, 640], sizes = [1024, 128], strides = [1, 1]} : vector<1024x2048xf32> to vector<1024x128xf32>
    %min3A_230 = arith.minimumf %min3A_228, %slice3A_229 : vector<1024x128xf32>
    %slice3A_231 = vector.extract_strided_slice %select_n3A_219 {offsets = [0, 768], sizes = [1024, 128], strides = [1, 1]} : vector<1024x2048xf32> to vector<1024x128xf32>
    %min3A_232 = arith.minimumf %min3A_230, %slice3A_231 : vector<1024x128xf32>
    %slice3A_233 = vector.extract_strided_slice %select_n3A_219 {offsets = [0, 896], sizes = [1024, 128], strides = [1, 1]} : vector<1024x2048xf32> to vector<1024x128xf32>
    %min3A_234 = arith.minimumf %min3A_232, %slice3A_233 : vector<1024x128xf32>
    %slice3A_235 = vector.extract_strided_slice %select_n3A_219 {offsets = [0, 1024], sizes = [1024, 128], strides = [1, 1]} : vector<1024x2048xf32> to vector<1024x128xf32>
    %min3A_236 = arith.minimumf %min3A_234, %slice3A_235 : vector<1024x128xf32>
    %slice3A_237 = vector.extract_strided_slice %select_n3A_219 {offsets = [0, 1152], sizes = [1024, 128], strides = [1, 1]} : vector<1024x2048xf32> to vector<1024x128xf32>
    %min3A_238 = arith.minimumf %min3A_236, %slice3A_237 : vector<1024x128xf32>
    %slice3A_239 = vector.extract_strided_slice %select_n3A_219 {offsets = [0, 1280], sizes = [1024, 128], strides = [1, 1]} : vector<1024x2048xf32> to vector<1024x128xf32>
    %min3A_240 = arith.minimumf %min3A_238, %slice3A_239 : vector<1024x128xf32>
    %slice3A_241 = vector.extract_strided_slice %select_n3A_219 {offsets = [0, 1408], sizes = [1024, 128], strides = [1, 1]} : vector<1024x2048xf32> to vector<1024x128xf32>
    %min3A_242 = arith.minimumf %min3A_240, %slice3A_241 : vector<1024x128xf32>
    %slice3A_243 = vector.extract_strided_slice %select_n3A_219 {offsets = [0, 1536], sizes = [1024, 128], strides = [1, 1]} : vector<1024x2048xf32> to vector<1024x128xf32>
    %min3A_244 = arith.minimumf %min3A_242, %slice3A_243 : vector<1024x128xf32>
    %slice3A_245 = vector.extract_strided_slice %select_n3A_219 {offsets = [0, 1664], sizes = [1024, 128], strides = [1, 1]} : vector<1024x2048xf32> to vector<1024x128xf32>
    %min3A_246 = arith.minimumf %min3A_244, %slice3A_245 : vector<1024x128xf32>
    %slice3A_247 = vector.extract_strided_slice %select_n3A_219 {offsets = [0, 1792], sizes = [1024, 128], strides = [1, 1]} : vector<1024x2048xf32> to vector<1024x128xf32>
    %min3A_248 = arith.minimumf %min3A_246, %slice3A_247 : vector<1024x128xf32>
    %slice3A_249 = vector.extract_strided_slice %select_n3A_219 {offsets = [0, 1920], sizes = [1024, 128], strides = [1, 1]} : vector<1024x2048xf32> to vector<1024x128xf32>
    %min3A_250 = arith.minimumf %min3A_248, %slice3A_249 : vector<1024x128xf32>
    %reduce_min3A_251 = arith.constant dense<0x7F800000> : vector<1024xf32>
    %reduce_min3A_252 = vector.multi_reduction <minimumf>, %min3A_250, %reduce_min3A_251 [1] : vector<1024x128xf32> to vector<1024xf32>
    %broadcast_in_dim3A_253 = vector.shape_cast %reduce_min3A_252 : vector<1024xf32> to vector<1024x1xf32>
    %convert_element_type3A_254 = arith.fptosi %broadcast_in_dim3A_253 : vector<1024x1xf32> to vector<1024x1xi32>
    %add3A_255 = arith.constant 9.99999993E-9 : f32
    %add3A_256 = vector.broadcast %add3A_255 : f32 to vector<1024x1xf32>
    %add3A_257 = arith.addf %broadcast_in_dim3A, %add3A_256 : vector<1024x1xf32>
    %div3A = arith.constant 1.000000e+00 : f32
    %div3A_258 = vector.broadcast %div3A : f32 to vector<1024x1xf32>
    %div3A_259 = arith.divf %div3A_258, %add3A_257 : vector<1024x1xf32>
    %add3A_260 = arith.constant 9.99999993E-9 : f32
    %add3A_261 = vector.broadcast %add3A_260 : f32 to vector<1024x1xf32>
    %add3A_262 = arith.addf %broadcast_in_dim3A_135, %add3A_261 : vector<1024x1xf32>
    %div3A_263 = arith.constant 1.000000e+00 : f32
    %div3A_264 = vector.broadcast %div3A_263 : f32 to vector<1024x1xf32>
    %div3A_265 = arith.divf %div3A_264, %add3A_262 : vector<1024x1xf32>
    %add3A_266 = arith.constant 9.99999993E-9 : f32
    %add3A_267 = vector.broadcast %add3A_266 : f32 to vector<1024x1xf32>
    %add3A_268 = arith.addf %broadcast_in_dim3A_214, %add3A_267 : vector<1024x1xf32>
    %div3A_269 = arith.constant 1.000000e+00 : f32
    %div3A_270 = vector.broadcast %div3A_269 : f32 to vector<1024x1xf32>
    %div3A_271 = arith.divf %div3A_270, %add3A_268 : vector<1024x1xf32>
    %add3A_272 = arith.addf %div3A_259, %div3A_265 : vector<1024x1xf32>
    %add3A_273 = arith.addf %add3A_272, %div3A_271 : vector<1024x1xf32>
    %div3A_274 = arith.divf %div3A_259, %add3A_273 : vector<1024x1xf32>
    %div3A_275 = arith.divf %div3A_265, %add3A_273 : vector<1024x1xf32>
    %div3A_276 = arith.divf %div3A_271, %add3A_273 : vector<1024x1xf32>
    %concatenate3A = tpu.concatenate %div3A_274, %div3A_275, %div3A_276 in 1 : vector<1024x1xf32>, vector<1024x1xf32>, vector<1024x1xf32> -> vector<1024x3xf32>
    %swap3A = arith.constant 0 : index
    %swap3A_277 = arith.constant 0 : index
    %swap3A_278 = arith.constant 0 : index
    %swap3A_279 = vector.load %arg7[%swap3A, %swap3A_277, %swap3A_278] : memref<1x1024x3xf32, #tpu.memory_space<vmem>>, vector<1x1024x3xf32>
    %swap3A_280 = vector.shape_cast %swap3A_279 : vector<1x1024x3xf32> to vector<1024x3xf32>
    %swap3A_281 = vector.shape_cast %concatenate3A : vector<1024x3xf32> to vector<1x1024x3xf32>
    tpu.vector_store %arg7[%swap3A, %swap3A_277, %swap3A_278], %swap3A_281 {strides = array<i32>} : memref<1x1024x3xf32, #tpu.memory_space<vmem>>, vector<1x1024x3xf32>,
    %mul3A_282 = arith.constant 2048 : i32
    %mul3A_283 = arith.muli %arg0, %mul3A_282 : i32
    %add3A_284 = vector.broadcast %mul3A_283 : i32 to vector<1024x1xi32>
    %add3A_285 = arith.addi %convert_element_type3A_96, %add3A_284 : vector<1024x1xi32>
    %transpose3A = tpu.transpose %add3A_285, [1, 0] : vector<1024x1xi32> -> vector<1x1024xi32>
    %broadcast_in_dim3A_286 = vector.shape_cast %transpose3A : vector<1x1024xi32> to vector<1x1x1x1024xi32>
    %add3A_287 = vector.broadcast %mul3A_283 : i32 to vector<1024x1xi32>
    %add3A_288 = arith.addi %convert_element_type3A_175, %add3A_287 : vector<1024x1xi32>
    %transpose3A_289 = tpu.transpose %add3A_288, [1, 0] : vector<1024x1xi32> -> vector<1x1024xi32>
    %broadcast_in_dim3A_290 = vector.shape_cast %transpose3A_289 : vector<1x1024xi32> to vector<1x1x1x1024xi32>
    %add3A_291 = vector.broadcast %mul3A_283 : i32 to vector<1024x1xi32>
    %add3A_292 = arith.addi %convert_element_type3A_254, %add3A_291 : vector<1024x1xi32>
    %transpose3A_293 = tpu.transpose %add3A_292, [1, 0] : vector<1024x1xi32> -> vector<1x1024xi32>
    %broadcast_in_dim3A_294 = vector.shape_cast %transpose3A_293 : vector<1x1024xi32> to vector<1x1x1x1024xi32>
    %concatenate3A_295 = tpu.concatenate %broadcast_in_dim3A_286, %broadcast_in_dim3A_290, %broadcast_in_dim3A_294 in 0 : vector<1x1x1x1024xi32>, vector<1x1x1x1024xi32>, vector<1x1x1x1024xi32> -> vector<3x1x1x1024xi32>
    %swap3A_296 = arith.constant 0 : index
    %swap3A_297 = arith.constant 0 : index
    %swap3A_298 = arith.constant 0 : index
    %swap3A_299 = arith.constant 0 : index
    %swap3A_300 = vector.load %arg6[%swap3A_296, %swap3A_297, %swap3A_298, %swap3A_299] : memref<3x1x1x1024xi32, #tpu.memory_space<vmem>>, vector<3x1x1x1024xi32>
    tpu.vector_store %arg6[%swap3A_296, %swap3A_297, %swap3A_298, %swap3A_299], %concatenate3A_295 {strides = array<i32>} : memref<3x1x1x1024xi32, #tpu.memory_space<vmem>>, vector<3x1x1x1024xi32>,
    return
  }
  func.func @transform_0(%arg0: i32, %arg1: i32) -> (i32, i32, i32) {
    %c0_i32 = arith.constant 0 : i32
    %c0_i32_0 = arith.constant 0 : i32
    return %arg0, %arg1, %c0_i32 : i32, i32, i32
  }
  func.func @transform_1(%arg0: i32, %arg1: i32) -> (i32, i32, i32) {
    %c0_i32 = arith.constant 0 : i32
    %c0_i32_0 = arith.constant 0 : i32
    %c0_i32_1 = arith.constant 0 : i32
    return %arg0, %c0_i32, %c0_i32_0 : i32, i32, i32
  }
  func.func @transform_2(%arg0: i32, %arg1: i32) -> (i32, i32, i32) {
    %c0_i32 = arith.constant 0 : i32
    %c0_i32_0 = arith.constant 0 : i32
    %c0_i32_1 = arith.constant 0 : i32
    return %arg0, %c0_i32, %c0_i32_0 : i32, i32, i32
  }
  func.func @transform_3(%arg0: i32, %arg1: i32) -> (i32, i32, i32) {
    %c0_i32 = arith.constant 0 : i32
    %c0_i32_0 = arith.constant 0 : i32
    %c0_i32_1 = arith.constant 0 : i32
    return %arg0, %c0_i32, %c0_i32_0 : i32, i32, i32
  }
  func.func @transform_4(%arg0: i32, %arg1: i32) -> (i32, i32, i32, i32) {
    %mul3A = arith.constant 8 : i32
    %mul3A_0 = arith.muli %arg0, %mul3A : i32
    %add3A = arith.addi %mul3A_0, %arg1 : i32
    %c0_i32 = arith.constant 0 : i32
    %c0_i32_1 = arith.constant 0 : i32
    %c0_i32_2 = arith.constant 0 : i32
    %c0_i32_3 = arith.constant 0 : i32
    return %c0_i32, %add3A, %c0_i32_1, %c0_i32_2 : i32, i32, i32, i32
  }
  func.func @transform_5(%arg0: i32, %arg1: i32) -> (i32, i32, i32) {
    %c0_i32 = arith.constant 0 : i32
    %c0_i32_0 = arith.constant 0 : i32
    return %arg0, %arg1, %c0_i32 : i32, i32, i32
  }
  func.func @transform_6(%arg0: i32, %arg1: i32) -> (i32, i32) {
    %c0_i32 = arith.constant 0 : i32
    %c0_i32_0 = arith.constant 0 : i32
    return %arg0, %c0_i32 : i32, i32
  }
}

module attributes {stable_mosaic.version = 14 : i64} {
  func.func @_mlp_body(%arg0: i32, %arg1: i32, %arg2: memref<3x512x128xf32, #tpu.memory_space<vmem>>, %arg3: memref<1x512x3xf32, #tpu.memory_space<vmem>>, %arg4: memref<1x512x3xf32, #tpu.memory_space<vmem>>, %arg5: memref<1x512x3xf32, #tpu.memory_space<vmem>>, %arg6: memref<3x128xf32, #tpu.memory_space<vmem>>, %arg7: memref<128xf32, #tpu.memory_space<vmem>>, %arg8: memref<128xf32, #tpu.memory_space<vmem>>, %arg9: memref<128xf32, #tpu.memory_space<vmem>>, %arg10: memref<64x128xf32, #tpu.memory_space<vmem>>, %arg11: memref<64xf32, #tpu.memory_space<vmem>>, %arg12: memref<128x67xf32, #tpu.memory_space<vmem>>, %arg13: memref<128xf32, #tpu.memory_space<vmem>>, %arg14: memref<128xf32, #tpu.memory_space<vmem>>, %arg15: memref<128xf32, #tpu.memory_space<vmem>>, %arg16: memref<64x128xf32, #tpu.memory_space<vmem>>, %arg17: memref<64xf32, #tpu.memory_space<vmem>>, %arg18: memref<128x64xf32, #tpu.memory_space<vmem>>, %arg19: memref<128xf32, #tpu.memory_space<vmem>>, %arg20: memref<128xf32, #tpu.memory_space<vmem>>, %arg21: memref<128xf32, #tpu.memory_space<vmem>>, %arg22: memref<64x128xf32, #tpu.memory_space<vmem>>, %arg23: memref<64xf32, #tpu.memory_space<vmem>>, %arg24: memref<1x512x64xf32, #tpu.memory_space<vmem>>) attributes {dimension_semantics = [#tpu.dimension_semantics<arbitrary>, #tpu.dimension_semantics<arbitrary>], iteration_bounds = array<i64: 2, 16>, scalar_prefetch = 0 : i64, scratch_operands = 0 : i64, tpu.core_type = #tpu.core_type<tc>, window_params = [{transform_indices = @transform_0, window_bounds = array<i64: 3, 512, 128>}, {transform_indices = @transform_1, window_bounds = array<i64: 1, 512, 3>}, {transform_indices = @transform_2, window_bounds = array<i64: 1, 512, 3>}, {transform_indices = @transform_3, window_bounds = array<i64: 1, 512, 3>}, {pipeline_mode = #tpu.pipeline_mode<synchronous>, transform_indices = @transform_4, window_bounds = array<i64: 3, 128>}, {pipeline_mode = #tpu.pipeline_mode<synchronous>, transform_indices = @transform_5, window_bounds = array<i64: 128>}, {pipeline_mode = #tpu.pipeline_mode<synchronous>, transform_indices = @transform_6, window_bounds = array<i64: 128>}, {pipeline_mode = #tpu.pipeline_mode<synchronous>, transform_indices = @transform_7, window_bounds = array<i64: 128>}, {pipeline_mode = #tpu.pipeline_mode<synchronous>, transform_indices = @transform_8, window_bounds = array<i64: 64, 128>}, {pipeline_mode = #tpu.pipeline_mode<synchronous>, transform_indices = @transform_9, window_bounds = array<i64: 64>}, {pipeline_mode = #tpu.pipeline_mode<synchronous>, transform_indices = @transform_10, window_bounds = array<i64: 128, 67>}, {pipeline_mode = #tpu.pipeline_mode<synchronous>, transform_indices = @transform_11, window_bounds = array<i64: 128>}, {pipeline_mode = #tpu.pipeline_mode<synchronous>, transform_indices = @transform_12, window_bounds = array<i64: 128>}, {pipeline_mode = #tpu.pipeline_mode<synchronous>, transform_indices = @transform_13, window_bounds = array<i64: 128>}, {pipeline_mode = #tpu.pipeline_mode<synchronous>, transform_indices = @transform_14, window_bounds = array<i64: 64, 128>}, {pipeline_mode = #tpu.pipeline_mode<synchronous>, transform_indices = @transform_15, window_bounds = array<i64: 64>}, {pipeline_mode = #tpu.pipeline_mode<synchronous>, transform_indices = @transform_16, window_bounds = array<i64: 128, 64>}, {pipeline_mode = #tpu.pipeline_mode<synchronous>, transform_indices = @transform_17, window_bounds = array<i64: 128>}, {pipeline_mode = #tpu.pipeline_mode<synchronous>, transform_indices = @transform_18, window_bounds = array<i64: 128>}, {pipeline_mode = #tpu.pipeline_mode<synchronous>, transform_indices = @transform_19, window_bounds = array<i64: 128>}, {pipeline_mode = #tpu.pipeline_mode<synchronous>, transform_indices = @transform_20, window_bounds = array<i64: 64, 128>}, {pipeline_mode = #tpu.pipeline_mode<synchronous>, transform_indices = @transform_21, window_bounds = array<i64: 64>}, {transform_indices = @transform_22, window_bounds = array<i64: 1, 512, 64>}]} {
    %get3A = arith.constant 0 : index
    %get3A_0 = arith.constant 0 : index
    %get3A_1 = arith.constant 0 : index
    %get3A_2 = vector.load %arg2[%get3A, %get3A_0, %get3A_1] : memref<3x512x128xf32, #tpu.memory_space<vmem>>, vector<3x512x128xf32>
    %get3A_3 = arith.constant 0 : index
    %get3A_4 = arith.constant 0 : index
    %get3A_5 = arith.constant 0 : index
    %get3A_6 = vector.load %arg3[%get3A_3, %get3A_4, %get3A_5] : memref<1x512x3xf32, #tpu.memory_space<vmem>>, vector<1x512x3xf32>
    %get3A_7 = vector.shape_cast %get3A_6 : vector<1x512x3xf32> to vector<512x3xf32>
    %get3A_8 = arith.constant 0 : index
    %get3A_9 = arith.constant 0 : index
    %get3A_10 = arith.constant 0 : index
    %get3A_11 = vector.load %arg5[%get3A_8, %get3A_9, %get3A_10] : memref<1x512x3xf32, #tpu.memory_space<vmem>>, vector<1x512x3xf32>
    %get3A_12 = vector.shape_cast %get3A_11 : vector<1x512x3xf32> to vector<512x3xf32>
    %get3A_13 = arith.constant 0 : index
    %get3A_14 = arith.constant 0 : index
    %get3A_15 = vector.load %arg6[%get3A_13, %get3A_14] : memref<3x128xf32, #tpu.memory_space<vmem>>, vector<3x128xf32>
    %slice3A = vector.extract_strided_slice %get3A_2 {offsets = [0, 0, 0], sizes = [1, 512, 128], strides = [1, 1, 1]} : vector<3x512x128xf32> to vector<1x512x128xf32>
    %squeeze3A = vector.shape_cast %slice3A : vector<1x512x128xf32> to vector<512x128xf32>
    %slice3A_16 = vector.extract_strided_slice %squeeze3A {offsets = [0, 0], sizes = [512, 3], strides = [1, 1]} : vector<512x128xf32> to vector<512x3xf32>
    %sub3A = arith.subf %slice3A_16, %get3A_7 : vector<512x3xf32>
    %dot_general3A = arith.constant dense<0.000000e+00> : vector<512x128xf32>
    %dot_general3A_17 = tpu.matmul %sub3A, %get3A_15, %dot_general3A {dimension_numbers = #tpu.dot_dimension_numbers<[1], [0], [0], [1], [0, 0, 1, 1], [], []>, transpose_lhs_hint = false} : vector<512x3xf32>, vector<3x128xf32>, vector<512x128xf32> -> vector<512x128xf32>
    %get3A_18 = arith.constant 0 : index
    %get3A_19 = vector.load %arg7[%get3A_18] : memref<128xf32, #tpu.memory_space<vmem>>, vector<128xf32>
    %broadcast_in_dim3A = vector.shape_cast %get3A_19 : vector<128xf32> to vector<1x128xf32>
    %add3A = vector.broadcast %broadcast_in_dim3A : vector<1x128xf32> to vector<512x128xf32>
    %add3A_20 = arith.addf %dot_general3A_17, %add3A : vector<512x128xf32>
    %get3A_21 = arith.constant 0 : index
    %get3A_22 = vector.load %arg8[%get3A_21] : memref<128xf32, #tpu.memory_space<vmem>>, vector<128xf32>
    %get3A_23 = arith.constant 0 : index
    %get3A_24 = vector.load %arg9[%get3A_23] : memref<128xf32, #tpu.memory_space<vmem>>, vector<128xf32>
    %reduce_sum3A = arith.constant dense<0.000000e+00> : vector<512xf32>
    %reduce_sum3A_25 = vector.multi_reduction <add>, %add3A_20, %reduce_sum3A [1] : vector<512x128xf32> to vector<512xf32>
    %broadcast_in_dim3A_26 = vector.shape_cast %reduce_sum3A_25 : vector<512xf32> to vector<512x1xf32>
    %div3A = arith.constant 1.280000e+02 : f32
    %div3A_27 = vector.broadcast %div3A : f32 to vector<512x1xf32>
    %div3A_28 = arith.divf %broadcast_in_dim3A_26, %div3A_27 : vector<512x1xf32>
    %sub3A_29 = vector.broadcast %div3A_28 : vector<512x1xf32> to vector<512x128xf32>
    %sub3A_30 = arith.subf %add3A_20, %sub3A_29 : vector<512x128xf32>
    %integer_pow3A = arith.mulf %sub3A_30, %sub3A_30 : vector<512x128xf32>
    %reduce_sum3A_31 = arith.constant dense<0.000000e+00> : vector<512xf32>
    %reduce_sum3A_32 = vector.multi_reduction <add>, %integer_pow3A, %reduce_sum3A_31 [1] : vector<512x128xf32> to vector<512xf32>
    %broadcast_in_dim3A_33 = vector.shape_cast %reduce_sum3A_32 : vector<512xf32> to vector<512x1xf32>
    %div3A_34 = arith.constant 1.280000e+02 : f32
    %div3A_35 = vector.broadcast %div3A_34 : f32 to vector<512x1xf32>
    %div3A_36 = arith.divf %broadcast_in_dim3A_33, %div3A_35 : vector<512x1xf32>
    %sub3A_37 = vector.broadcast %div3A_28 : vector<512x1xf32> to vector<512x128xf32>
    %sub3A_38 = arith.subf %add3A_20, %sub3A_37 : vector<512x128xf32>
    %add3A_39 = arith.constant 9.99999974E-6 : f32
    %add3A_40 = vector.broadcast %add3A_39 : f32 to vector<512x1xf32>
    %add3A_41 = arith.addf %div3A_36, %add3A_40 : vector<512x1xf32>
    %sqrt3A = math.sqrt %add3A_41 : vector<512x1xf32>
    %div3A_42 = vector.broadcast %sqrt3A : vector<512x1xf32> to vector<512x128xf32>
    %div3A_43 = arith.divf %sub3A_38, %div3A_42 : vector<512x128xf32>
    %broadcast_in_dim3A_44 = vector.shape_cast %get3A_22 : vector<128xf32> to vector<1x128xf32>
    %mul3A = vector.broadcast %broadcast_in_dim3A_44 : vector<1x128xf32> to vector<512x128xf32>
    %mul3A_45 = arith.mulf %div3A_43, %mul3A : vector<512x128xf32>
    %broadcast_in_dim3A_46 = vector.shape_cast %get3A_24 : vector<128xf32> to vector<1x128xf32>
    %add3A_47 = vector.broadcast %broadcast_in_dim3A_46 : vector<1x128xf32> to vector<512x128xf32>
    %add3A_48 = arith.addf %mul3A_45, %add3A_47 : vector<512x128xf32>
    %mul3A_49 = arith.constant 5.000000e-01 : f32
    %mul3A_50 = vector.broadcast %mul3A_49 : f32 to vector<512x128xf32>
    %mul3A_51 = arith.mulf %add3A_48, %mul3A_50 : vector<512x128xf32>
    %mul3A_52 = arith.constant 0.707106769 : f32
    %mul3A_53 = vector.broadcast %mul3A_52 : f32 to vector<512x128xf32>
    %mul3A_54 = arith.mulf %add3A_48, %mul3A_53 : vector<512x128xf32>
    %erf3A = math.erf %mul3A_54 : vector<512x128xf32>
    %add3A_55 = arith.constant 1.000000e+00 : f32
    %add3A_56 = vector.broadcast %add3A_55 : f32 to vector<512x128xf32>
    %add3A_57 = arith.addf %add3A_56, %erf3A : vector<512x128xf32>
    %mul3A_58 = arith.mulf %mul3A_51, %add3A_57 : vector<512x128xf32>
    %get3A_59 = arith.constant 0 : index
    %get3A_60 = arith.constant 0 : index
    %get3A_61 = vector.load %arg10[%get3A_59, %get3A_60] : memref<64x128xf32, #tpu.memory_space<vmem>>, vector<64x128xf32>
    %dot_general3A_62 = arith.constant dense<0.000000e+00> : vector<512x64xf32>
    %dot_general3A_63 = tpu.matmul %mul3A_58, %get3A_61, %dot_general3A_62 {dimension_numbers = #tpu.dot_dimension_numbers<[1], [1], [0], [0], [0, 0, 1, 0], [], []>, transpose_lhs_hint = false} : vector<512x128xf32>, vector<64x128xf32>, vector<512x64xf32> -> vector<512x64xf32>
    %get3A_64 = arith.constant 0 : index
    %get3A_65 = vector.load %arg11[%get3A_64] : memref<64xf32, #tpu.memory_space<vmem>>, vector<64xf32>
    %broadcast_in_dim3A_66 = vector.shape_cast %get3A_65 : vector<64xf32> to vector<1x64xf32>
    %add3A_67 = vector.broadcast %broadcast_in_dim3A_66 : vector<1x64xf32> to vector<512x64xf32>
    %add3A_68 = arith.addf %dot_general3A_63, %add3A_67 : vector<512x64xf32>
    %slice3A_69 = vector.extract_strided_slice %squeeze3A {offsets = [0, 3], sizes = [512, 64], strides = [1, 1]} : vector<512x128xf32> to vector<512x64xf32>
    %add3A_70 = arith.addf %add3A_68, %slice3A_69 : vector<512x64xf32>
    %slice3A_71 = vector.extract_strided_slice %get3A_12 {offsets = [0, 0], sizes = [512, 1], strides = [1, 1]} : vector<512x3xf32> to vector<512x1xf32>
    %mul3A_72 = vector.broadcast %slice3A_71 : vector<512x1xf32> to vector<512x64xf32>
    %mul3A_73 = arith.mulf %add3A_70, %mul3A_72 : vector<512x64xf32>
    %slice3A_74 = vector.extract_strided_slice %get3A_2 {offsets = [1, 0, 0], sizes = [1, 512, 128], strides = [1, 1, 1]} : vector<3x512x128xf32> to vector<1x512x128xf32>
    %squeeze3A_75 = vector.shape_cast %slice3A_74 : vector<1x512x128xf32> to vector<512x128xf32>
    %slice3A_76 = vector.extract_strided_slice %squeeze3A_75 {offsets = [0, 0], sizes = [512, 3], strides = [1, 1]} : vector<512x128xf32> to vector<512x3xf32>
    %sub3A_77 = arith.subf %slice3A_76, %get3A_7 : vector<512x3xf32>
    %dot_general3A_78 = arith.constant dense<0.000000e+00> : vector<512x128xf32>
    %dot_general3A_79 = tpu.matmul %sub3A_77, %get3A_15, %dot_general3A_78 {dimension_numbers = #tpu.dot_dimension_numbers<[1], [0], [0], [1], [0, 0, 1, 1], [], []>, transpose_lhs_hint = false} : vector<512x3xf32>, vector<3x128xf32>, vector<512x128xf32> -> vector<512x128xf32>
    %get3A_80 = arith.constant 0 : index
    %get3A_81 = vector.load %arg7[%get3A_80] : memref<128xf32, #tpu.memory_space<vmem>>, vector<128xf32>
    %broadcast_in_dim3A_82 = vector.shape_cast %get3A_81 : vector<128xf32> to vector<1x128xf32>
    %add3A_83 = vector.broadcast %broadcast_in_dim3A_82 : vector<1x128xf32> to vector<512x128xf32>
    %add3A_84 = arith.addf %dot_general3A_79, %add3A_83 : vector<512x128xf32>
    %get3A_85 = arith.constant 0 : index
    %get3A_86 = vector.load %arg8[%get3A_85] : memref<128xf32, #tpu.memory_space<vmem>>, vector<128xf32>
    %get3A_87 = arith.constant 0 : index
    %get3A_88 = vector.load %arg9[%get3A_87] : memref<128xf32, #tpu.memory_space<vmem>>, vector<128xf32>
    %reduce_sum3A_89 = arith.constant dense<0.000000e+00> : vector<512xf32>
    %reduce_sum3A_90 = vector.multi_reduction <add>, %add3A_84, %reduce_sum3A_89 [1] : vector<512x128xf32> to vector<512xf32>
    %broadcast_in_dim3A_91 = vector.shape_cast %reduce_sum3A_90 : vector<512xf32> to vector<512x1xf32>
    %div3A_92 = arith.constant 1.280000e+02 : f32
    %div3A_93 = vector.broadcast %div3A_92 : f32 to vector<512x1xf32>
    %div3A_94 = arith.divf %broadcast_in_dim3A_91, %div3A_93 : vector<512x1xf32>
    %sub3A_95 = vector.broadcast %div3A_94 : vector<512x1xf32> to vector<512x128xf32>
    %sub3A_96 = arith.subf %add3A_84, %sub3A_95 : vector<512x128xf32>
    %integer_pow3A_97 = arith.mulf %sub3A_96, %sub3A_96 : vector<512x128xf32>
    %reduce_sum3A_98 = arith.constant dense<0.000000e+00> : vector<512xf32>
    %reduce_sum3A_99 = vector.multi_reduction <add>, %integer_pow3A_97, %reduce_sum3A_98 [1] : vector<512x128xf32> to vector<512xf32>
    %broadcast_in_dim3A_100 = vector.shape_cast %reduce_sum3A_99 : vector<512xf32> to vector<512x1xf32>
    %div3A_101 = arith.constant 1.280000e+02 : f32
    %div3A_102 = vector.broadcast %div3A_101 : f32 to vector<512x1xf32>
    %div3A_103 = arith.divf %broadcast_in_dim3A_100, %div3A_102 : vector<512x1xf32>
    %sub3A_104 = vector.broadcast %div3A_94 : vector<512x1xf32> to vector<512x128xf32>
    %sub3A_105 = arith.subf %add3A_84, %sub3A_104 : vector<512x128xf32>
    %add3A_106 = arith.constant 9.99999974E-6 : f32
    %add3A_107 = vector.broadcast %add3A_106 : f32 to vector<512x1xf32>
    %add3A_108 = arith.addf %div3A_103, %add3A_107 : vector<512x1xf32>
    %sqrt3A_109 = math.sqrt %add3A_108 : vector<512x1xf32>
    %div3A_110 = vector.broadcast %sqrt3A_109 : vector<512x1xf32> to vector<512x128xf32>
    %div3A_111 = arith.divf %sub3A_105, %div3A_110 : vector<512x128xf32>
    %broadcast_in_dim3A_112 = vector.shape_cast %get3A_86 : vector<128xf32> to vector<1x128xf32>
    %mul3A_113 = vector.broadcast %broadcast_in_dim3A_112 : vector<1x128xf32> to vector<512x128xf32>
    %mul3A_114 = arith.mulf %div3A_111, %mul3A_113 : vector<512x128xf32>
    %broadcast_in_dim3A_115 = vector.shape_cast %get3A_88 : vector<128xf32> to vector<1x128xf32>
    %add3A_116 = vector.broadcast %broadcast_in_dim3A_115 : vector<1x128xf32> to vector<512x128xf32>
    %add3A_117 = arith.addf %mul3A_114, %add3A_116 : vector<512x128xf32>
    %mul3A_118 = arith.constant 5.000000e-01 : f32
    %mul3A_119 = vector.broadcast %mul3A_118 : f32 to vector<512x128xf32>
    %mul3A_120 = arith.mulf %add3A_117, %mul3A_119 : vector<512x128xf32>
    %mul3A_121 = arith.constant 0.707106769 : f32
    %mul3A_122 = vector.broadcast %mul3A_121 : f32 to vector<512x128xf32>
    %mul3A_123 = arith.mulf %add3A_117, %mul3A_122 : vector<512x128xf32>
    %erf3A_124 = math.erf %mul3A_123 : vector<512x128xf32>
    %add3A_125 = arith.constant 1.000000e+00 : f32
    %add3A_126 = vector.broadcast %add3A_125 : f32 to vector<512x128xf32>
    %add3A_127 = arith.addf %add3A_126, %erf3A_124 : vector<512x128xf32>
    %mul3A_128 = arith.mulf %mul3A_120, %add3A_127 : vector<512x128xf32>
    %get3A_129 = arith.constant 0 : index
    %get3A_130 = arith.constant 0 : index
    %get3A_131 = vector.load %arg10[%get3A_129, %get3A_130] : memref<64x128xf32, #tpu.memory_space<vmem>>, vector<64x128xf32>
    %dot_general3A_132 = arith.constant dense<0.000000e+00> : vector<512x64xf32>
    %dot_general3A_133 = tpu.matmul %mul3A_128, %get3A_131, %dot_general3A_132 {dimension_numbers = #tpu.dot_dimension_numbers<[1], [1], [0], [0], [0, 0, 1, 0], [], []>, transpose_lhs_hint = false} : vector<512x128xf32>, vector<64x128xf32>, vector<512x64xf32> -> vector<512x64xf32>
    %get3A_134 = arith.constant 0 : index
    %get3A_135 = vector.load %arg11[%get3A_134] : memref<64xf32, #tpu.memory_space<vmem>>, vector<64xf32>
    %broadcast_in_dim3A_136 = vector.shape_cast %get3A_135 : vector<64xf32> to vector<1x64xf32>
    %add3A_137 = vector.broadcast %broadcast_in_dim3A_136 : vector<1x64xf32> to vector<512x64xf32>
    %add3A_138 = arith.addf %dot_general3A_133, %add3A_137 : vector<512x64xf32>
    %slice3A_139 = vector.extract_strided_slice %squeeze3A_75 {offsets = [0, 3], sizes = [512, 64], strides = [1, 1]} : vector<512x128xf32> to vector<512x64xf32>
    %add3A_140 = arith.addf %add3A_138, %slice3A_139 : vector<512x64xf32>
    %slice3A_141 = vector.extract_strided_slice %get3A_12 {offsets = [0, 1], sizes = [512, 1], strides = [1, 1]} : vector<512x3xf32> to vector<512x1xf32>
    %mul3A_142 = vector.broadcast %slice3A_141 : vector<512x1xf32> to vector<512x64xf32>
    %mul3A_143 = arith.mulf %add3A_140, %mul3A_142 : vector<512x64xf32>
    %add3A_144 = arith.addf %mul3A_73, %mul3A_143 : vector<512x64xf32>
    %slice3A_145 = vector.extract_strided_slice %get3A_2 {offsets = [2, 0, 0], sizes = [1, 512, 128], strides = [1, 1, 1]} : vector<3x512x128xf32> to vector<1x512x128xf32>
    %squeeze3A_146 = vector.shape_cast %slice3A_145 : vector<1x512x128xf32> to vector<512x128xf32>
    %slice3A_147 = vector.extract_strided_slice %squeeze3A_146 {offsets = [0, 0], sizes = [512, 3], strides = [1, 1]} : vector<512x128xf32> to vector<512x3xf32>
    %sub3A_148 = arith.subf %slice3A_147, %get3A_7 : vector<512x3xf32>
    %dot_general3A_149 = arith.constant dense<0.000000e+00> : vector<512x128xf32>
    %dot_general3A_150 = tpu.matmul %sub3A_148, %get3A_15, %dot_general3A_149 {dimension_numbers = #tpu.dot_dimension_numbers<[1], [0], [0], [1], [0, 0, 1, 1], [], []>, transpose_lhs_hint = false} : vector<512x3xf32>, vector<3x128xf32>, vector<512x128xf32> -> vector<512x128xf32>
    %get3A_151 = arith.constant 0 : index
    %get3A_152 = vector.load %arg7[%get3A_151] : memref<128xf32, #tpu.memory_space<vmem>>, vector<128xf32>
    %broadcast_in_dim3A_153 = vector.shape_cast %get3A_152 : vector<128xf32> to vector<1x128xf32>
    %add3A_154 = vector.broadcast %broadcast_in_dim3A_153 : vector<1x128xf32> to vector<512x128xf32>
    %add3A_155 = arith.addf %dot_general3A_150, %add3A_154 : vector<512x128xf32>
    %get3A_156 = arith.constant 0 : index
    %get3A_157 = vector.load %arg8[%get3A_156] : memref<128xf32, #tpu.memory_space<vmem>>, vector<128xf32>
    %get3A_158 = arith.constant 0 : index
    %get3A_159 = vector.load %arg9[%get3A_158] : memref<128xf32, #tpu.memory_space<vmem>>, vector<128xf32>
    %reduce_sum3A_160 = arith.constant dense<0.000000e+00> : vector<512xf32>
    %reduce_sum3A_161 = vector.multi_reduction <add>, %add3A_155, %reduce_sum3A_160 [1] : vector<512x128xf32> to vector<512xf32>
    %broadcast_in_dim3A_162 = vector.shape_cast %reduce_sum3A_161 : vector<512xf32> to vector<512x1xf32>
    %div3A_163 = arith.constant 1.280000e+02 : f32
    %div3A_164 = vector.broadcast %div3A_163 : f32 to vector<512x1xf32>
    %div3A_165 = arith.divf %broadcast_in_dim3A_162, %div3A_164 : vector<512x1xf32>
    %sub3A_166 = vector.broadcast %div3A_165 : vector<512x1xf32> to vector<512x128xf32>
    %sub3A_167 = arith.subf %add3A_155, %sub3A_166 : vector<512x128xf32>
    %integer_pow3A_168 = arith.mulf %sub3A_167, %sub3A_167 : vector<512x128xf32>
    %reduce_sum3A_169 = arith.constant dense<0.000000e+00> : vector<512xf32>
    %reduce_sum3A_170 = vector.multi_reduction <add>, %integer_pow3A_168, %reduce_sum3A_169 [1] : vector<512x128xf32> to vector<512xf32>
    %broadcast_in_dim3A_171 = vector.shape_cast %reduce_sum3A_170 : vector<512xf32> to vector<512x1xf32>
    %div3A_172 = arith.constant 1.280000e+02 : f32
    %div3A_173 = vector.broadcast %div3A_172 : f32 to vector<512x1xf32>
    %div3A_174 = arith.divf %broadcast_in_dim3A_171, %div3A_173 : vector<512x1xf32>
    %sub3A_175 = vector.broadcast %div3A_165 : vector<512x1xf32> to vector<512x128xf32>
    %sub3A_176 = arith.subf %add3A_155, %sub3A_175 : vector<512x128xf32>
    %add3A_177 = arith.constant 9.99999974E-6 : f32
    %add3A_178 = vector.broadcast %add3A_177 : f32 to vector<512x1xf32>
    %add3A_179 = arith.addf %div3A_174, %add3A_178 : vector<512x1xf32>
    %sqrt3A_180 = math.sqrt %add3A_179 : vector<512x1xf32>
    %div3A_181 = vector.broadcast %sqrt3A_180 : vector<512x1xf32> to vector<512x128xf32>
    %div3A_182 = arith.divf %sub3A_176, %div3A_181 : vector<512x128xf32>
    %broadcast_in_dim3A_183 = vector.shape_cast %get3A_157 : vector<128xf32> to vector<1x128xf32>
    %mul3A_184 = vector.broadcast %broadcast_in_dim3A_183 : vector<1x128xf32> to vector<512x128xf32>
    %mul3A_185 = arith.mulf %div3A_182, %mul3A_184 : vector<512x128xf32>
    %broadcast_in_dim3A_186 = vector.shape_cast %get3A_159 : vector<128xf32> to vector<1x128xf32>
    %add3A_187 = vector.broadcast %broadcast_in_dim3A_186 : vector<1x128xf32> to vector<512x128xf32>
    %add3A_188 = arith.addf %mul3A_185, %add3A_187 : vector<512x128xf32>
    %mul3A_189 = arith.constant 5.000000e-01 : f32
    %mul3A_190 = vector.broadcast %mul3A_189 : f32 to vector<512x128xf32>
    %mul3A_191 = arith.mulf %add3A_188, %mul3A_190 : vector<512x128xf32>
    %mul3A_192 = arith.constant 0.707106769 : f32
    %mul3A_193 = vector.broadcast %mul3A_192 : f32 to vector<512x128xf32>
    %mul3A_194 = arith.mulf %add3A_188, %mul3A_193 : vector<512x128xf32>
    %erf3A_195 = math.erf %mul3A_194 : vector<512x128xf32>
    %add3A_196 = arith.constant 1.000000e+00 : f32
    %add3A_197 = vector.broadcast %add3A_196 : f32 to vector<512x128xf32>
    %add3A_198 = arith.addf %add3A_197, %erf3A_195 : vector<512x128xf32>
    %mul3A_199 = arith.mulf %mul3A_191, %add3A_198 : vector<512x128xf32>
    %get3A_200 = arith.constant 0 : index
    %get3A_201 = arith.constant 0 : index
    %get3A_202 = vector.load %arg10[%get3A_200, %get3A_201] : memref<64x128xf32, #tpu.memory_space<vmem>>, vector<64x128xf32>
    %dot_general3A_203 = arith.constant dense<0.000000e+00> : vector<512x64xf32>
    %dot_general3A_204 = tpu.matmul %mul3A_199, %get3A_202, %dot_general3A_203 {dimension_numbers = #tpu.dot_dimension_numbers<[1], [1], [0], [0], [0, 0, 1, 0], [], []>, transpose_lhs_hint = false} : vector<512x128xf32>, vector<64x128xf32>, vector<512x64xf32> -> vector<512x64xf32>
    %get3A_205 = arith.constant 0 : index
    %get3A_206 = vector.load %arg11[%get3A_205] : memref<64xf32, #tpu.memory_space<vmem>>, vector<64xf32>
    %broadcast_in_dim3A_207 = vector.shape_cast %get3A_206 : vector<64xf32> to vector<1x64xf32>
    %add3A_208 = vector.broadcast %broadcast_in_dim3A_207 : vector<1x64xf32> to vector<512x64xf32>
    %add3A_209 = arith.addf %dot_general3A_204, %add3A_208 : vector<512x64xf32>
    %slice3A_210 = vector.extract_strided_slice %squeeze3A_146 {offsets = [0, 3], sizes = [512, 64], strides = [1, 1]} : vector<512x128xf32> to vector<512x64xf32>
    %add3A_211 = arith.addf %add3A_209, %slice3A_210 : vector<512x64xf32>
    %slice3A_212 = vector.extract_strided_slice %get3A_12 {offsets = [0, 2], sizes = [512, 1], strides = [1, 1]} : vector<512x3xf32> to vector<512x1xf32>
    %mul3A_213 = vector.broadcast %slice3A_212 : vector<512x1xf32> to vector<512x64xf32>
    %mul3A_214 = arith.mulf %add3A_211, %mul3A_213 : vector<512x64xf32>
    %add3A_215 = arith.addf %add3A_144, %mul3A_214 : vector<512x64xf32>
    %get3A_216 = arith.constant 0 : index
    %get3A_217 = arith.constant 0 : index
    %get3A_218 = arith.constant 0 : index
    %get3A_219 = vector.load %arg4[%get3A_216, %get3A_217, %get3A_218] : memref<1x512x3xf32, #tpu.memory_space<vmem>>, vector<1x512x3xf32>
    %get3A_220 = vector.shape_cast %get3A_219 : vector<1x512x3xf32> to vector<512x3xf32>
    %concatenate3A = tpu.concatenate %add3A_215, %get3A_220 in 1 : vector<512x64xf32>, vector<512x3xf32> -> vector<512x67xf32>
    %get3A_221 = arith.constant 0 : index
    %get3A_222 = arith.constant 0 : index
    %get3A_223 = vector.load %arg12[%get3A_221, %get3A_222] : memref<128x67xf32, #tpu.memory_space<vmem>>, vector<128x67xf32>
    %dot_general3A_224 = arith.constant dense<0.000000e+00> : vector<512x128xf32>
    %dot_general3A_225 = tpu.matmul %concatenate3A, %get3A_223, %dot_general3A_224 {dimension_numbers = #tpu.dot_dimension_numbers<[1], [1], [0], [0], [0, 0, 1, 0], [], []>, transpose_lhs_hint = false} : vector<512x67xf32>, vector<128x67xf32>, vector<512x128xf32> -> vector<512x128xf32>
    %get3A_226 = arith.constant 0 : index
    %get3A_227 = vector.load %arg13[%get3A_226] : memref<128xf32, #tpu.memory_space<vmem>>, vector<128xf32>
    %broadcast_in_dim3A_228 = vector.shape_cast %get3A_227 : vector<128xf32> to vector<1x128xf32>
    %add3A_229 = vector.broadcast %broadcast_in_dim3A_228 : vector<1x128xf32> to vector<512x128xf32>
    %add3A_230 = arith.addf %dot_general3A_225, %add3A_229 : vector<512x128xf32>
    %get3A_231 = arith.constant 0 : index
    %get3A_232 = vector.load %arg14[%get3A_231] : memref<128xf32, #tpu.memory_space<vmem>>, vector<128xf32>
    %get3A_233 = arith.constant 0 : index
    %get3A_234 = vector.load %arg15[%get3A_233] : memref<128xf32, #tpu.memory_space<vmem>>, vector<128xf32>
    %reduce_sum3A_235 = arith.constant dense<0.000000e+00> : vector<512xf32>
    %reduce_sum3A_236 = vector.multi_reduction <add>, %add3A_230, %reduce_sum3A_235 [1] : vector<512x128xf32> to vector<512xf32>
    %broadcast_in_dim3A_237 = vector.shape_cast %reduce_sum3A_236 : vector<512xf32> to vector<512x1xf32>
    %div3A_238 = arith.constant 1.280000e+02 : f32
    %div3A_239 = vector.broadcast %div3A_238 : f32 to vector<512x1xf32>
    %div3A_240 = arith.divf %broadcast_in_dim3A_237, %div3A_239 : vector<512x1xf32>
    %sub3A_241 = vector.broadcast %div3A_240 : vector<512x1xf32> to vector<512x128xf32>
    %sub3A_242 = arith.subf %add3A_230, %sub3A_241 : vector<512x128xf32>
    %integer_pow3A_243 = arith.mulf %sub3A_242, %sub3A_242 : vector<512x128xf32>
    %reduce_sum3A_244 = arith.constant dense<0.000000e+00> : vector<512xf32>
    %reduce_sum3A_245 = vector.multi_reduction <add>, %integer_pow3A_243, %reduce_sum3A_244 [1] : vector<512x128xf32> to vector<512xf32>
    %broadcast_in_dim3A_246 = vector.shape_cast %reduce_sum3A_245 : vector<512xf32> to vector<512x1xf32>
    %div3A_247 = arith.constant 1.280000e+02 : f32
    %div3A_248 = vector.broadcast %div3A_247 : f32 to vector<512x1xf32>
    %div3A_249 = arith.divf %broadcast_in_dim3A_246, %div3A_248 : vector<512x1xf32>
    %sub3A_250 = vector.broadcast %div3A_240 : vector<512x1xf32> to vector<512x128xf32>
    %sub3A_251 = arith.subf %add3A_230, %sub3A_250 : vector<512x128xf32>
    %add3A_252 = arith.constant 9.99999974E-6 : f32
    %add3A_253 = vector.broadcast %add3A_252 : f32 to vector<512x1xf32>
    %add3A_254 = arith.addf %div3A_249, %add3A_253 : vector<512x1xf32>
    %sqrt3A_255 = math.sqrt %add3A_254 : vector<512x1xf32>
    %div3A_256 = vector.broadcast %sqrt3A_255 : vector<512x1xf32> to vector<512x128xf32>
    %div3A_257 = arith.divf %sub3A_251, %div3A_256 : vector<512x128xf32>
    %broadcast_in_dim3A_258 = vector.shape_cast %get3A_232 : vector<128xf32> to vector<1x128xf32>
    %mul3A_259 = vector.broadcast %broadcast_in_dim3A_258 : vector<1x128xf32> to vector<512x128xf32>
    %mul3A_260 = arith.mulf %div3A_257, %mul3A_259 : vector<512x128xf32>
    %broadcast_in_dim3A_261 = vector.shape_cast %get3A_234 : vector<128xf32> to vector<1x128xf32>
    %add3A_262 = vector.broadcast %broadcast_in_dim3A_261 : vector<1x128xf32> to vector<512x128xf32>
    %add3A_263 = arith.addf %mul3A_260, %add3A_262 : vector<512x128xf32>
    %mul3A_264 = arith.constant 5.000000e-01 : f32
    %mul3A_265 = vector.broadcast %mul3A_264 : f32 to vector<512x128xf32>
    %mul3A_266 = arith.mulf %add3A_263, %mul3A_265 : vector<512x128xf32>
    %mul3A_267 = arith.constant 0.707106769 : f32
    %mul3A_268 = vector.broadcast %mul3A_267 : f32 to vector<512x128xf32>
    %mul3A_269 = arith.mulf %add3A_263, %mul3A_268 : vector<512x128xf32>
    %erf3A_270 = math.erf %mul3A_269 : vector<512x128xf32>
    %add3A_271 = arith.constant 1.000000e+00 : f32
    %add3A_272 = vector.broadcast %add3A_271 : f32 to vector<512x128xf32>
    %add3A_273 = arith.addf %add3A_272, %erf3A_270 : vector<512x128xf32>
    %mul3A_274 = arith.mulf %mul3A_266, %add3A_273 : vector<512x128xf32>
    %get3A_275 = arith.constant 0 : index
    %get3A_276 = arith.constant 0 : index
    %get3A_277 = vector.load %arg16[%get3A_275, %get3A_276] : memref<64x128xf32, #tpu.memory_space<vmem>>, vector<64x128xf32>
    %dot_general3A_278 = arith.constant dense<0.000000e+00> : vector<512x64xf32>
    %dot_general3A_279 = tpu.matmul %mul3A_274, %get3A_277, %dot_general3A_278 {dimension_numbers = #tpu.dot_dimension_numbers<[1], [1], [0], [0], [0, 0, 1, 0], [], []>, transpose_lhs_hint = false} : vector<512x128xf32>, vector<64x128xf32>, vector<512x64xf32> -> vector<512x64xf32>
    %get3A_280 = arith.constant 0 : index
    %get3A_281 = vector.load %arg17[%get3A_280] : memref<64xf32, #tpu.memory_space<vmem>>, vector<64xf32>
    %broadcast_in_dim3A_282 = vector.shape_cast %get3A_281 : vector<64xf32> to vector<1x64xf32>
    %add3A_283 = vector.broadcast %broadcast_in_dim3A_282 : vector<1x64xf32> to vector<512x64xf32>
    %add3A_284 = arith.addf %dot_general3A_279, %add3A_283 : vector<512x64xf32>
    %add3A_285 = arith.addf %add3A_215, %add3A_284 : vector<512x64xf32>
    %get3A_286 = arith.constant 0 : index
    %get3A_287 = arith.constant 0 : index
    %get3A_288 = vector.load %arg18[%get3A_286, %get3A_287] : memref<128x64xf32, #tpu.memory_space<vmem>>, vector<128x64xf32>
    %dot_general3A_289 = arith.constant dense<0.000000e+00> : vector<512x128xf32>
    %dot_general3A_290 = tpu.matmul %add3A_285, %get3A_288, %dot_general3A_289 {dimension_numbers = #tpu.dot_dimension_numbers<[1], [1], [0], [0], [0, 0, 1, 0], [], []>, transpose_lhs_hint = false} : vector<512x64xf32>, vector<128x64xf32>, vector<512x128xf32> -> vector<512x128xf32>
    %get3A_291 = arith.constant 0 : index
    %get3A_292 = vector.load %arg19[%get3A_291] : memref<128xf32, #tpu.memory_space<vmem>>, vector<128xf32>
    %broadcast_in_dim3A_293 = vector.shape_cast %get3A_292 : vector<128xf32> to vector<1x128xf32>
    %add3A_294 = vector.broadcast %broadcast_in_dim3A_293 : vector<1x128xf32> to vector<512x128xf32>
    %add3A_295 = arith.addf %dot_general3A_290, %add3A_294 : vector<512x128xf32>
    %get3A_296 = arith.constant 0 : index
    %get3A_297 = vector.load %arg20[%get3A_296] : memref<128xf32, #tpu.memory_space<vmem>>, vector<128xf32>
    %get3A_298 = arith.constant 0 : index
    %get3A_299 = vector.load %arg21[%get3A_298] : memref<128xf32, #tpu.memory_space<vmem>>, vector<128xf32>
    %reduce_sum3A_300 = arith.constant dense<0.000000e+00> : vector<512xf32>
    %reduce_sum3A_301 = vector.multi_reduction <add>, %add3A_295, %reduce_sum3A_300 [1] : vector<512x128xf32> to vector<512xf32>
    %broadcast_in_dim3A_302 = vector.shape_cast %reduce_sum3A_301 : vector<512xf32> to vector<512x1xf32>
    %div3A_303 = arith.constant 1.280000e+02 : f32
    %div3A_304 = vector.broadcast %div3A_303 : f32 to vector<512x1xf32>
    %div3A_305 = arith.divf %broadcast_in_dim3A_302, %div3A_304 : vector<512x1xf32>
    %sub3A_306 = vector.broadcast %div3A_305 : vector<512x1xf32> to vector<512x128xf32>
    %sub3A_307 = arith.subf %add3A_295, %sub3A_306 : vector<512x128xf32>
    %integer_pow3A_308 = arith.mulf %sub3A_307, %sub3A_307 : vector<512x128xf32>
    %reduce_sum3A_309 = arith.constant dense<0.000000e+00> : vector<512xf32>
    %reduce_sum3A_310 = vector.multi_reduction <add>, %integer_pow3A_308, %reduce_sum3A_309 [1] : vector<512x128xf32> to vector<512xf32>
    %broadcast_in_dim3A_311 = vector.shape_cast %reduce_sum3A_310 : vector<512xf32> to vector<512x1xf32>
    %div3A_312 = arith.constant 1.280000e+02 : f32
    %div3A_313 = vector.broadcast %div3A_312 : f32 to vector<512x1xf32>
    %div3A_314 = arith.divf %broadcast_in_dim3A_311, %div3A_313 : vector<512x1xf32>
    %sub3A_315 = vector.broadcast %div3A_305 : vector<512x1xf32> to vector<512x128xf32>
    %sub3A_316 = arith.subf %add3A_295, %sub3A_315 : vector<512x128xf32>
    %add3A_317 = arith.constant 9.99999974E-6 : f32
    %add3A_318 = vector.broadcast %add3A_317 : f32 to vector<512x1xf32>
    %add3A_319 = arith.addf %div3A_314, %add3A_318 : vector<512x1xf32>
    %sqrt3A_320 = math.sqrt %add3A_319 : vector<512x1xf32>
    %div3A_321 = vector.broadcast %sqrt3A_320 : vector<512x1xf32> to vector<512x128xf32>
    %div3A_322 = arith.divf %sub3A_316, %div3A_321 : vector<512x128xf32>
    %broadcast_in_dim3A_323 = vector.shape_cast %get3A_297 : vector<128xf32> to vector<1x128xf32>
    %mul3A_324 = vector.broadcast %broadcast_in_dim3A_323 : vector<1x128xf32> to vector<512x128xf32>
    %mul3A_325 = arith.mulf %div3A_322, %mul3A_324 : vector<512x128xf32>
    %broadcast_in_dim3A_326 = vector.shape_cast %get3A_299 : vector<128xf32> to vector<1x128xf32>
    %add3A_327 = vector.broadcast %broadcast_in_dim3A_326 : vector<1x128xf32> to vector<512x128xf32>
    %add3A_328 = arith.addf %mul3A_325, %add3A_327 : vector<512x128xf32>
    %mul3A_329 = arith.constant 5.000000e-01 : f32
    %mul3A_330 = vector.broadcast %mul3A_329 : f32 to vector<512x128xf32>
    %mul3A_331 = arith.mulf %add3A_328, %mul3A_330 : vector<512x128xf32>
    %mul3A_332 = arith.constant 0.707106769 : f32
    %mul3A_333 = vector.broadcast %mul3A_332 : f32 to vector<512x128xf32>
    %mul3A_334 = arith.mulf %add3A_328, %mul3A_333 : vector<512x128xf32>
    %erf3A_335 = math.erf %mul3A_334 : vector<512x128xf32>
    %add3A_336 = arith.constant 1.000000e+00 : f32
    %add3A_337 = vector.broadcast %add3A_336 : f32 to vector<512x128xf32>
    %add3A_338 = arith.addf %add3A_337, %erf3A_335 : vector<512x128xf32>
    %mul3A_339 = arith.mulf %mul3A_331, %add3A_338 : vector<512x128xf32>
    %get3A_340 = arith.constant 0 : index
    %get3A_341 = arith.constant 0 : index
    %get3A_342 = vector.load %arg22[%get3A_340, %get3A_341] : memref<64x128xf32, #tpu.memory_space<vmem>>, vector<64x128xf32>
    %dot_general3A_343 = arith.constant dense<0.000000e+00> : vector<512x64xf32>
    %dot_general3A_344 = tpu.matmul %mul3A_339, %get3A_342, %dot_general3A_343 {dimension_numbers = #tpu.dot_dimension_numbers<[1], [1], [0], [0], [0, 0, 1, 0], [], []>, transpose_lhs_hint = false} : vector<512x128xf32>, vector<64x128xf32>, vector<512x64xf32> -> vector<512x64xf32>
    %get3A_345 = arith.constant 0 : index
    %get3A_346 = vector.load %arg23[%get3A_345] : memref<64xf32, #tpu.memory_space<vmem>>, vector<64xf32>
    %broadcast_in_dim3A_347 = vector.shape_cast %get3A_346 : vector<64xf32> to vector<1x64xf32>
    %add3A_348 = vector.broadcast %broadcast_in_dim3A_347 : vector<1x64xf32> to vector<512x64xf32>
    %add3A_349 = arith.addf %dot_general3A_344, %add3A_348 : vector<512x64xf32>
    %swap3A = arith.constant 0 : index
    %swap3A_350 = arith.constant 0 : index
    %swap3A_351 = arith.constant 0 : index
    %swap3A_352 = vector.load %arg24[%swap3A, %swap3A_350, %swap3A_351] : memref<1x512x64xf32, #tpu.memory_space<vmem>>, vector<1x512x64xf32>
    %swap3A_353 = vector.shape_cast %swap3A_352 : vector<1x512x64xf32> to vector<512x64xf32>
    %swap3A_354 = vector.shape_cast %add3A_349 : vector<512x64xf32> to vector<1x512x64xf32>
    tpu.vector_store %arg24[%swap3A, %swap3A_350, %swap3A_351], %swap3A_354 {strides = array<i32>} : memref<1x512x64xf32, #tpu.memory_space<vmem>>, vector<1x512x64xf32>,
    return
  }
  func.func @transform_0(%arg0: i32, %arg1: i32) -> (i32, i32, i32) {
    %mul3A = arith.constant 16 : i32
    %mul3A_0 = arith.muli %arg0, %mul3A : i32
    %add3A = arith.addi %mul3A_0, %arg1 : i32
    %c0_i32 = arith.constant 0 : i32
    %c0_i32_1 = arith.constant 0 : i32
    %c0_i32_2 = arith.constant 0 : i32
    return %c0_i32, %add3A, %c0_i32_1 : i32, i32, i32
  }
  func.func @transform_1(%arg0: i32, %arg1: i32) -> (i32, i32, i32) {
    %c0_i32 = arith.constant 0 : i32
    %c0_i32_0 = arith.constant 0 : i32
    return %arg0, %arg1, %c0_i32 : i32, i32, i32
  }
  func.func @transform_2(%arg0: i32, %arg1: i32) -> (i32, i32, i32) {
    %c0_i32 = arith.constant 0 : i32
    %c0_i32_0 = arith.constant 0 : i32
    return %arg0, %arg1, %c0_i32 : i32, i32, i32
  }
  func.func @transform_3(%arg0: i32, %arg1: i32) -> (i32, i32, i32) {
    %c0_i32 = arith.constant 0 : i32
    %c0_i32_0 = arith.constant 0 : i32
    return %arg0, %arg1, %c0_i32 : i32, i32, i32
  }
  func.func @transform_4(%arg0: i32, %arg1: i32) -> (i32, i32) {
    %c0_i32 = arith.constant 0 : i32
    %c0_i32_0 = arith.constant 0 : i32
    %c0_i32_1 = arith.constant 0 : i32
    return %c0_i32, %c0_i32_0 : i32, i32
  }
  func.func @transform_5(%arg0: i32, %arg1: i32) -> i32 {
    %c0_i32 = arith.constant 0 : i32
    %c0_i32_0 = arith.constant 0 : i32
    return %c0_i32 : i32
  }
  func.func @transform_6(%arg0: i32, %arg1: i32) -> i32 {
    %c0_i32 = arith.constant 0 : i32
    %c0_i32_0 = arith.constant 0 : i32
    return %c0_i32 : i32
  }
  func.func @transform_7(%arg0: i32, %arg1: i32) -> i32 {
    %c0_i32 = arith.constant 0 : i32
    %c0_i32_0 = arith.constant 0 : i32
    return %c0_i32 : i32
  }
  func.func @transform_8(%arg0: i32, %arg1: i32) -> (i32, i32) {
    %c0_i32 = arith.constant 0 : i32
    %c0_i32_0 = arith.constant 0 : i32
    %c0_i32_1 = arith.constant 0 : i32
    return %c0_i32, %c0_i32_0 : i32, i32
  }
  func.func @transform_9(%arg0: i32, %arg1: i32) -> i32 {
    %c0_i32 = arith.constant 0 : i32
    %c0_i32_0 = arith.constant 0 : i32
    return %c0_i32 : i32
  }
  func.func @transform_10(%arg0: i32, %arg1: i32) -> (i32, i32) {
    %c0_i32 = arith.constant 0 : i32
    %c0_i32_0 = arith.constant 0 : i32
    %c0_i32_1 = arith.constant 0 : i32
    return %c0_i32, %c0_i32_0 : i32, i32
  }
  func.func @transform_11(%arg0: i32, %arg1: i32) -> i32 {
    %c0_i32 = arith.constant 0 : i32
    %c0_i32_0 = arith.constant 0 : i32
    return %c0_i32 : i32
  }
  func.func @transform_12(%arg0: i32, %arg1: i32) -> i32 {
    %c0_i32 = arith.constant 0 : i32
    %c0_i32_0 = arith.constant 0 : i32
    return %c0_i32 : i32
  }
  func.func @transform_13(%arg0: i32, %arg1: i32) -> i32 {
    %c0_i32 = arith.constant 0 : i32
    %c0_i32_0 = arith.constant 0 : i32
    return %c0_i32 : i32
  }
  func.func @transform_14(%arg0: i32, %arg1: i32) -> (i32, i32) {
    %c0_i32 = arith.constant 0 : i32
    %c0_i32_0 = arith.constant 0 : i32
    %c0_i32_1 = arith.constant 0 : i32
    return %c0_i32, %c0_i32_0 : i32, i32
  }
  func.func @transform_15(%arg0: i32, %arg1: i32) -> i32 {
    %c0_i32 = arith.constant 0 : i32
    %c0_i32_0 = arith.constant 0 : i32
    return %c0_i32 : i32
  }
  func.func @transform_16(%arg0: i32, %arg1: i32) -> (i32, i32) {
    %c0_i32 = arith.constant 0 : i32
    %c0_i32_0 = arith.constant 0 : i32
    %c0_i32_1 = arith.constant 0 : i32
    return %c0_i32, %c0_i32_0 : i32, i32
  }
  func.func @transform_17(%arg0: i32, %arg1: i32) -> i32 {
    %c0_i32 = arith.constant 0 : i32
    %c0_i32_0 = arith.constant 0 : i32
    return %c0_i32 : i32
  }
  func.func @transform_18(%arg0: i32, %arg1: i32) -> i32 {
    %c0_i32 = arith.constant 0 : i32
    %c0_i32_0 = arith.constant 0 : i32
    return %c0_i32 : i32
  }
  func.func @transform_19(%arg0: i32, %arg1: i32) -> i32 {
    %c0_i32 = arith.constant 0 : i32
    %c0_i32_0 = arith.constant 0 : i32
    return %c0_i32 : i32
  }
  func.func @transform_20(%arg0: i32, %arg1: i32) -> (i32, i32) {
    %c0_i32 = arith.constant 0 : i32
    %c0_i32_0 = arith.constant 0 : i32
    %c0_i32_1 = arith.constant 0 : i32
    return %c0_i32, %c0_i32_0 : i32, i32
  }
  func.func @transform_21(%arg0: i32, %arg1: i32) -> i32 {
    %c0_i32 = arith.constant 0 : i32
    %c0_i32_0 = arith.constant 0 : i32
    return %c0_i32 : i32
  }
  func.func @transform_22(%arg0: i32, %arg1: i32) -> (i32, i32, i32) {
    %c0_i32 = arith.constant 0 : i32
    %c0_i32_0 = arith.constant 0 : i32
    return %arg0, %arg1, %c0_i32 : i32, i32, i32
  }
}

</mosaic_0001>

<sc_bundles>
// kernel: kernel.5.cloned.1.call-start
scs
__scs_entry_jumppad:
0x0: {  	(pc) =	sbr.rel $0x88, $3  }
0x1: {  	(tag) =	ssettag $0x0;
	lr =	simm.s32 $0x1  }
0x2: {  	[smem:$0x3F8B] =	sst lr;
	_ =	strace $0xD0000000  }
0x3: {  	_ = 	snop  }
0x4: {  	_ = 	snop  }
0x5: {  	_ = 	snop  }
0x6: {  	_ = 	snop  }
0x7: {  	_ = 	snop  }
__scs_overlays_trampoline_lowered:
0x8: {  	[smem:$0x3F9A] =	sst s0  }
0x9: {  	[smem:$0x3F9B] =	sst s1  }
0xa: {  	[smem:$0x3F9C] =	sst s2  }
0xb: {  	[smem:$0x3F9D] =	sst s3  }
0xc: {  	[smem:$0x3F9E] =	sst s4  }
0xd: {  	[smem:$0x3F9F] =	sst s5  }
0xe: {  	[smem:$0x3FA0] =	sst s6  }
0xf: {  	[smem:$0x3FA1] =	sst s7  }
0x10: {  	[smem:$0x3FA2] =	sst s8  }
0x11: {  	[smem:$0x3FA3] =	sst s9;
	s0 =	simm.s32 @!p0 $0x0  }
0x12: {  	s1 =	sld [smem:$0x3F89];
	s0 =	simm.s32 @p0 $0x1  }
0x13: {  	[smem:$0x3FA4] =	sst s0;
	s0 =	simm.s32 @!p1 $0x0  }
0x14: {  	s2 =	sld [smem:$0x3F88];
	s0 =	simm.s32 @p1 $0x1  }
0x15: {  	[smem:$0x3FA5] =	sst s0;
	s0 =	simm.s32 @!p2 $0x0  }
0x16: {  	s3 =	sld [smem:$0x3FDB];
	s0 =	simm.s32 @p2 $0x1  }
0x17: {  	s4 =	simm.s32 $0x1BF5;
	[smem:$0x3FA7] =	sst s0  }
0x18: {  	s0 =	sld [smem:$0x3F8A];
	_ =	swait.ge [sflag:s4], $0x0  }
0x19: {  	s7 =	sld [smem:$0x3F8B]  }
0x1a: {  	s8 =	sadd.s32 $0xFFFFE003, lr  }
0x1b: {  	s9 =	sadd.s32 $0xFFFFFEF7, lr;
	s5 =	simm.s32 $0xFFFFFFFF;
	p2 =	slt.u32 s8, $0xFFFFF086  }
0x1c: {  	p1 =	slt.u32 s9, $0xF7A;
	s5 =	simm.s32 @!p2 $0x0  }
0x1d: {  	s5 =	simm.s32 @p1 $0x1;
	p0 =	seq.s32 s7, s2  }
0x1e: {  	s7 =	smul.u32 @!p0 $0xF7A, s2;
	p2 =	seq.s32 @!p0 s5, $0x0  }
0x1f: {  	s9 =	smul.u32 $0xF7A, s1;
	s8 =	simm.s32 @!p0 $0x1BF5;
	p2 =	por !p2, p0  }
0x20: {  	[sflag:s8] =	ssyncset.s32 @!p0 $0xFFFFF086;
	s6 =	sadd.s32 @!p0 s3, s7;
	s7 =	simm.s32 @!p0 $0x108  }
0x21: {  	s3 =	sadd.s32 s3, s9;
	s6 =	sadd.s32 @!p0 $0x88, s6;
	s7 =	simm.s32 @p2 $0x1082  }
0x22: {  	[simem:s7], [sflag:s8] =	dma.local @!p0 [hbm:s6], $0xF7A  }
0x23: {  	s9 =	sor.u32 $0xD0000000, s2;
	s6 =	simm.s32 $0x108;
	_ =	swait.ge @!p0 [sflag:s8], $0x0  }
0x24: {  	s3 =	sadd.s32 $0x88, s3;
	s6 =	simm.s32 @!p1 $0x1082;
	[sflag:s4] =	ssyncset.s32 $0xFFFFF086  }
0x25: {  	[simem:s6], [sflag:s4] =	dma.local [hbm:s3], $0xF7A  }
0x26: {  	[smem:$0x3F8B] =	sst s1;
	(tag) =	ssettag s2;
	_ =	strace s9  }
0x27: {  	s1 =	sld [smem:$0x3F9B]  }
0x28: {  	s2 =	sld [smem:$0x3F9C]  }
0x29: {  	s4 =	sld [smem:$0x3F9E]  }
0x2a: {  	p0 =	seq.s32 s5, $0x0;
	s5 =	sld [smem:$0x3F9F]  }
0x2b: {  	s6 =	sld [smem:$0x3FA0]  }
0x2c: {  	s7 =	sld [smem:$0x3FA1]  }
0x2d: {  	s3 =	simm.s32 $0x108;
	s8 =	sld [smem:$0x3FA2]  }
0x2e: {  	s3 =	simm.s32 @!p0 $0x1082;
	s9 =	sld [smem:$0x3FA3]  }
0x2f: {  	lr =	sadd.s32 s0, s3;
	s0 =	sld [smem:$0x3F9A]  }
0x30: {  	s3 =	sld [smem:$0x3F9D]  }
0x31: {  	[smem:$0x3FA6] =	sst s10  }
0x32: {  	s10 =	sld [smem:$0x3FA4];
	_ =	sdelay $0x3  }
0x33: {  	p0 =	seq.s32 s10, $0x1;
	s10 =	sld [smem:$0x3FA6];
	_ =	sdelay $0x3  }
0x34: {  	[smem:$0x3FA6] =	sst s10  }
0x35: {  	s10 =	sld [smem:$0x3FA5];
	_ =	sdelay $0x3  }
0x36: {  	p1 =	seq.s32 s10, $0x1;
	s10 =	sld [smem:$0x3FA6];
	_ =	sdelay $0x3  }
0x37: {  	[smem:$0x3FA6] =	sst s10  }
0x38: {  	s10 =	sld [smem:$0x3FA7]  }
0x39: {  	_ = 	snop;
	(pc) =	sbr.ind lr, $3  }
0x3a: {  	_ = 	snop  }
0x3b: {  	_ = 	snop  }
0x3c: {  	p2 =	seq.s32 s10, $0x1;
	s10 =	sld [smem:$0x3FA6]  }
0x3d: {  	_ =	shalt  }
0x3e: {  	_ =	shalt  }
0x3f: {  	_ =	shalt  }
0x40: {  	_ =	shalt  }
0x41: {  	_ =	shalt  }
0x42: {  	_ =	shalt  }
0x43: {  	_ =	shalt  }
0x44: {  	_ =	shalt  }
0x45: {  	_ =	shalt  }
0x46: {  	_ =	shalt  }
0x47: {  	_ =	shalt  }
0x48: {  	_ =	shalt  }
0x49: {  	_ =	shalt  }
0x4a: {  	_ =	shalt  }
0x4b: {  	_ =	shalt  }
0x4c: {  	_ =	shalt  }
0x4d: {  	_ =	shalt  }
0x4e: {  	_ =	shalt  }
0x4f: {  	_ =	shalt  }
0x50: {  	_ =	shalt  }
0x51: {  	_ =	shalt  }
0x52: {  	_ =	shalt  }
0x53: {  	_ =	shalt  }
0x54: {  	_ =	shalt  }
0x55: {  	_ =	shalt  }
0x56: {  	_ =	shalt  }
0x57: {  	_ =	shalt  }
0x58: {  	_ =	shalt  }
0x59: {  	_ =	shalt  }
0x5a: {  	_ =	shalt  }
0x5b: {  	_ =	shalt  }
0x5c: {  	_ =	shalt  }
0x5d: {  	_ =	shalt  }
0x5e: {  	_ =	shalt  }
0x5f: {  	_ =	shalt  }
0x60: {  	_ =	shalt  }
0x61: {  	_ =	shalt  }
0x62: {  	_ =	shalt  }
0x63: {  	_ =	shalt  }
0x64: {  	_ =	shalt  }
0x65: {  	_ =	shalt  }
0x66: {  	_ =	shalt  }
0x67: {  	_ =	shalt  }
0x68: {  	_ =	shalt  }
0x69: {  	_ =	shalt  }
0x6a: {  	_ =	shalt  }
0x6b: {  	_ =	shalt  }
0x6c: {  	_ =	shalt  }
0x6d: {  	_ =	shalt  }
0x6e: {  	_ =	shalt  }
0x6f: {  	_ =	shalt  }
0x70: {  	_ =	shalt  }
0x71: {  	_ =	shalt  }
0x72: {  	_ =	shalt  }
0x73: {  	_ =	shalt  }
0x74: {  	_ =	shalt  }
0x75: {  	_ =	shalt  }
0x76: {  	_ =	shalt  }
0x77: {  	_ =	shalt  }
0x78: {  	_ =	shalt  }
0x79: {  	_ =	shalt  }
0x7a: {  	_ =	shalt  }
0x7b: {  	_ =	shalt  }
0x7c: {  	_ =	shalt  }
0x7d: {  	_ =	shalt  }
0x7e: {  	_ =	shalt  }
0x7f: {  	_ =	shalt  }
0x80: {  	_ =	shalt  }
0x81: {  	_ =	shalt  }
0x82: {  	_ =	shalt  }
0x83: {  	_ =	shalt  }
0x84: {  	_ =	shalt  }
0x85: {  	_ =	shalt  }
0x86: {  	_ =	shalt  }
0x87: {  	_ =	shalt  }
.Lfunc_end0:
.L_simem_size_0:
called_computation_lowered:
.L_overlay_start_0:
0x88: {  	s2 =	sld [smem:$0x3FD9]  }
0x89: {  	s3 =	sld [smem:$0x3FFE];
	_ =	sdelay $0x1  }
0x8a: {  	s1 =	srdreg.scid  }
0x8b: {  	s0 =	sand.u32 $0x1, s1  }
0x8c: {  	s17 =	sshll.u32 s0, $0xA;
	s2 =	sadd.s32 s3, s2  }
0x8d: {  	s2 =	sadd.s32 s2, s17  }
0x8e: {  	[smem:$0x3FB2] =	sst s2  }
0x8f: {  	_ = 	snop  }
0x90: {  	s2 =	sld [smem:$0x3FD0];
	(tm) =	ssettm $0x1  }
0x91: {  	s18 =	sld [smem:$0x3FFB];
	_ =	sdelay $0x3  }
0x92: {  	_ =	strace s18  }
0x93: {  	s3 =	sld [smem:$0x3FFC];
	_ =	sdelay $0x3  }
0x94: {  	_ =	strace s3  }
0x95: {  	s3 =	sld [smem:$0x3FFD];
	_ =	sdelay $0x3  }
0x96: {  	_ =	strace s3  }
0x97: {  	_ =	strace $0x8FFFFFFF  }
0x98: {  	s19 =	sld [smem:$0x3FDB];
	_ =	sdelay $0x1  }
0x99: {  	s4 =	simm.s32 $_scs_section_size  }
0x9a: {  	s5 =	simm.s32 $_size__tile_overlayer_lowered;
	s6 =	simm.s32 $_tile_overlayer_lowered  }
0x9b: {  	s22 =	simm.s32 $0x1BFF;
	s21 =	sshll.u32 s6, $0x1;
	s3 =	sadd.s32 s4, s19  }
0x9c: {  	s7 =	simm.s32 $0x0;
	s20 =	sshll.u32 s5, $0x1;
	s5 =	sadd.s32 s21, s3  }
0x9d: {  	[timem:s7], [sflag:s22] =	dma.local [hbm:s5], s20  }
0x9e: {  	_ =	swait.ge [sflag:s22], s20  }
0x9f: {  	s4 =	ssub.s32 $0x0, s20;
	[sflag:s22] =	ssyncset.done $0x0  }
0xa0: {  	[sflag:s22] =	ssyncadd.s32 s4;
	_ =	sdelay $0x1  }
0xa1: {  	s23 =	simm.s32 $0x1B8B  }
0xa2: {  	_ =	swait.ge [sflag:s23], $0x1  }
0xa3: {  	[sflag:s23] =	ssyncset.done $0x0  }
0xa4: {  	s25 =	simm.s32 $0x1B8E;
	s24 =	sld [smem:$0x3FFE];
	[sflag:s23] =	ssyncadd.s32 $0xFFFFFFFF  }
0xa5: {  	s26 =	simm.s32 $execute0_lowered;
	[smem:$0x3FD2] =	sst s25  }
0xa6: {  	s5 =	sshll.u32 s26, $0x1;
	_ =	strace $0x80000046;
	[dreg:$0x1] =	wrdreg $0xFFFFFFFF  }
0xa7: {  	s28 =	simm.s32 $_size_execute0_lowered;
	s3 =	sadd.s32 s3, s5;
	[dreg:$0x0] =	wrdreg $0x0  }
0xa8: {  	s5 =	sshll.u32 s28, $0x1;
	[dreg:$0x2] =	wrdreg s3  }
0xa9: {  	[dreg:$0x3] =	wrdreg s5  }
0xaa: {  	[dreg:$0x4] =	wrdreg $0xC0  }
0xab: {  	_ =	task [dreg:s7], $0x5FFFF  }
0xac: {  	[dreg:$0x1] =	wrdreg $0xFFFFFFFF  }
0xad: {  	[dreg:$0x0] =	wrdreg $0x60  }
0xae: {  	[dreg:$0x2] =	wrdreg s2  }
0xaf: {  	[dreg:$0x3] =	wrdreg s24  }
0xb0: {  	[dreg:$0x4] =	wrdreg $0x9  }
0xb1: {  	_ =	task.clear_ibuf [dreg:s7], $0x5FFFF;
	_ =	strace $0x90000046  }
0xb2: {  	s29 =	simm.s32 $0x9;
	_ =	strace $0x80000048  }
0xb3: {  	_ =	swait.ge [sflag:s29], $0x1  }
0xb4: {  	[sflag:s29] =	ssyncadd.s32 $0xFFFFFFFF  }
0xb5: {  	_ =	strace $0x90000048  }
0xb6: {  	_ =	sfence  }
0xb7: {  	s30 =	sld [smem:$0x0];
	_ =	sdelay $0x2  }
0xb8: {  	s31 =	sshll.u32 s1, $0xD;
	s1 =	sshrl.u32 s1, $0x2  }
0xb9: {  	s3 =	sand.u32 $0x4000, s31;
	s1 =	sadd.s32 s1, s30  }
0xba: {  	s0 =	sor.u32 s3, s0;
	s1 =	sshll.u32 s1, $0x11  }
0xbb: {  	s0 =	sor.u32 s1, s0  }
0xbc: {  	s0 =	sadd.s32 $0x8F2B, s0  }
0xbd: {  	[sflag:s0] =	ssyncadd.remote.s32 $0x1  }
0xbe: {  	_ =	sfence.sel $0xFFFF  }
0xbf: {  	[dreg:$0x0] =	wrdreg $0xFFFFFFFF;
	(pc) =	sbr.abs _section_cstart, $3  }
0xc0: {  	[dreg:$0x1] =	wrdreg $0xFFFFFFFF  }
0xc1: {  	_ =	task.clear_ibuf [dreg:s7], $0x2FFFF;
	_ =	strace $0x9FFFFFFF  }
0xc2: {  	(tm) =	ssettm $0x7FFFFFFF  }
0xc3: {  	_ =	shalt  }
tec
execute0_lowered:
.L_overlay_start_1:
0x0: {  	(tag) =	ssettag $0x1  }
0x1: {  	s1 =	srdreg.scid;
	s0 =	stileid.u32  }
0x2: {  	s1 =	sand.u32 $0x1, s1;
	s3 =	sshll.u32 s0, $0x1  }
0x3: {  	s2 =	rddreg [dreg:$0x0];
	s16 =	sor.u32 s1, s3  }
0x4: {  	s4 =	rddreg [dreg:$0x1];
	s5 =	sshll.u32 s16, $0x8  }
0x5: {  	s3 =	simm.s32 $0x0;
	s6 =	smul.u32 $0x6000, s16;
	s5 =	sadd.s32 s5, s4  }
0x6: {  	s17 =	sadd.s32 $0x85400, s4;
	[smem:$0x7FF] =	sst s3;
	s5 =	sadd.s32 $0x83400, s5  }
0x7: {  	_ =	strace $0x80000047;
	s4 =	sadd.s32 s17, s6;
	[dreg:$0x3] =	wrdreg s5  }
0x8: {  	s26 =	sadd.s32 $0x800, s4;
	s25 =	rddreg [dreg:$0x3]  }
0x9: {  	s5 =	simm.s32 $0x3;
	[dreg:$0x4] =	wrdreg s26  }
0xa: {  	[tilespmem:s3], [sflag:$0x3] =	stream.linear.gather [hbm4b:s25+s3], $0x600, $0x38;
	[tilespmem:$0x8800] =	vst v63  }
0xb: {  	_ =	swait.ge [sflag:s5], $0x600  }
0xc: {  	[sflag:s5] =	ssyncset.done $0x0  }
0xd: {  	s7 =	simm.s32 $0x800;
	s6 =	simm.s32 $0x80;
	[sflag:s5] =	ssyncadd.s32 $0xFFFFFA00  }
0xe: {  	[tilespmem:s7], [sflag:$0x1] =	stream.indirect.gather [hbm4b:s2+s6], $0x80, s3, s6, $0xb8;
	[tilespmem:$0x8800] =	vst v63  }
0xf: {  	s8 =	simm.s32 $0x4800;
	s9 =	simm.s32 $0x1  }
0x10: {  	[tilespmem:s8], [sflag:$0x2] =	stream.indirect.gather [hbm4b:s2+s6], $0x80, s6, s6, $0xb8;
	[tilespmem:$0x8800] =	vst v63  }
0x11: {  	_ =	swait.ge [sflag:s9], $0x4000  }
0x12: {  	[sflag:s9] =	ssyncset.done $0x0  }
0x13: {  	[sflag:s9] =	ssyncadd.s32 $0xFFFFC000  }
0x14: {  	[hbm4b:s4+s3] =	stream.linear.scatter [tilespmem:s7], [sflag:$0x3], $0x4000, $0x38;
	[tilespmem:$0x8800] =	vst v63  }
0x15: {  	_ =	swait.ge [sflag:s5], $0x4000  }
0x16: {  	[sflag:s5] =	ssyncset.done $0x0  }
0x17: {  	s10 =	simm.s32 $0x100;
	s11 =	simm.s32 $0x2;
	[sflag:s5] =	ssyncadd.s32 $0xFFFFC000  }
0x18: {  	[tilespmem:s7], [sflag:$0x1] =	stream.indirect.gather [hbm4b:s2+s6], $0x80, s10, s6, $0xb8;
	[tilespmem:$0x8800] =	vst v63  }
0x19: {  	_ =	swait.ge [sflag:s11], $0x4000  }
0x1a: {  	[sflag:s11] =	ssyncset.done $0x0  }
0x1b: {  	s12 =	rddreg [dreg:$0x4];
	[sflag:s11] =	ssyncadd.s32 $0xFFFFC000  }
0x1c: {  	[hbm4b:s12+s3] =	stream.linear.scatter [tilespmem:s8], [sflag:$0x3], $0x4000, $0x38;
	[tilespmem:$0x8800] =	vst v63  }
0x1d: {  	_ =	swait.ge [sflag:s5], $0x4000  }
0x1e: {  	[sflag:s5] =	ssyncset.done $0x0  }
0x1f: {  	s12 =	simm.s32 $0x180;
	[sflag:s5] =	ssyncadd.s32 $0xFFFFC000  }
0x20: {  	[tilespmem:s8], [sflag:$0x2] =	stream.indirect.gather [hbm4b:s2+s6], $0x80, s12, s6, $0xb8;
	[tilespmem:$0x8800] =	vst v63  }
0x21: {  	_ =	swait.ge [sflag:s9], $0x4000  }
0x22: {  	[sflag:s9] =	ssyncset.done $0x0  }
0x23: {  	s13 =	sadd.s32 $0x1000, s4;
	[sflag:s9] =	ssyncadd.s32 $0xFFFFC000  }
0x24: {  	[hbm4b:s13+s3] =	stream.linear.scatter [tilespmem:s7], [sflag:$0x3], $0x4000, $0x38;
	[tilespmem:$0x8800] =	vst v63  }
0x25: {  	_ =	swait.ge [sflag:s5], $0x4000  }
0x26: {  	[sflag:s5] =	ssyncset.done $0x0  }
0x27: {  	s14 =	simm.s32 $0x200;
	[sflag:s5] =	ssyncadd.s32 $0xFFFFC000  }
0x28: {  	[tilespmem:s7], [sflag:$0x1] =	stream.indirect.gather [hbm4b:s2+s6], $0x80, s14, s6, $0xb8;
	[tilespmem:$0x8800] =	vst v63  }
0x29: {  	_ =	swait.ge [sflag:s11], $0x4000  }
0x2a: {  	[sflag:s11] =	ssyncset.done $0x0  }
0x2b: {  	s15 =	sadd.s32 $0x1800, s4;
	[sflag:s11] =	ssyncadd.s32 $0xFFFFC000  }
0x2c: {  	[hbm4b:s15+s3] =	stream.linear.scatter [tilespmem:s8], [sflag:$0x3], $0x4000, $0x38;
	[tilespmem:$0x8800] =	vst v63  }
0x2d: {  	_ =	swait.ge [sflag:s5], $0x4000  }
0x2e: {  	[sflag:s5] =	ssyncset.done $0x0  }
0x2f: {  	s18 =	smul.u32 $0x30000, s16;
	s16 =	simm.s32 $0x280;
	[sflag:s5] =	ssyncadd.s32 $0xFFFFC000  }
0x30: {  	[tilespmem:s8], [sflag:$0x2] =	stream.indirect.gather [hbm4b:s2+s6], $0x80, s16, s6, $0xb8;
	[tilespmem:$0x8800] =	vst v63  }
0x31: {  	s18 =	sshrl.u32 s18, $0x3;
	_ =	swait.ge [sflag:s9], $0x4000  }
0x32: {  	s31 =	sadd.s32 s17, s18;
	[sflag:s9] =	ssyncset.done $0x0  }
0x33: {  	s17 =	sadd.s32 $0x2000, s31;
	[sflag:s9] =	ssyncadd.s32 $0xFFFFC000  }
0x34: {  	[hbm4b:s17+s3] =	stream.linear.scatter [tilespmem:s7], [sflag:$0x3], $0x4000, $0x38;
	[tilespmem:$0x8800] =	vst v63  }
0x35: {  	_ =	swait.ge [sflag:s5], $0x4000  }
0x36: {  	[sflag:s5] =	ssyncset.done $0x0  }
0x37: {  	s18 =	simm.s32 $0x300;
	[sflag:s5] =	ssyncadd.s32 $0xFFFFC000  }
0x38: {  	[tilespmem:s7], [sflag:$0x1] =	stream.indirect.gather [hbm4b:s2+s6], $0x80, s18, s6, $0xb8;
	[tilespmem:$0x8800] =	vst v63  }
0x39: {  	_ =	swait.ge [sflag:s11], $0x4000  }
0x3a: {  	[sflag:s11] =	ssyncset.done $0x0  }
0x3b: {  	s19 =	sadd.s32 $0x2800, s31;
	[sflag:s11] =	ssyncadd.s32 $0xFFFFC000  }
0x3c: {  	[hbm4b:s19+s3] =	stream.linear.scatter [tilespmem:s8], [sflag:$0x3], $0x4000, $0x38;
	[tilespmem:$0x8800] =	vst v63  }
0x3d: {  	_ =	swait.ge [sflag:s5], $0x4000  }
0x3e: {  	[sflag:s5] =	ssyncset.done $0x0  }
0x3f: {  	s20 =	simm.s32 $0x380;
	[sflag:s5] =	ssyncadd.s32 $0xFFFFC000  }
0x40: {  	[tilespmem:s8], [sflag:$0x2] =	stream.indirect.gather [hbm4b:s2+s6], $0x80, s20, s6, $0xb8;
	[tilespmem:$0x8800] =	vst v63  }
0x41: {  	_ =	swait.ge [sflag:s9], $0x4000  }
0x42: {  	[sflag:s9] =	ssyncset.done $0x0  }
0x43: {  	s21 =	sadd.s32 $0x3000, s31;
	[sflag:s9] =	ssyncadd.s32 $0xFFFFC000  }
0x44: {  	[hbm4b:s21+s3] =	stream.linear.scatter [tilespmem:s7], [sflag:$0x3], $0x4000, $0x38;
	[tilespmem:$0x8800] =	vst v63  }
0x45: {  	_ =	swait.ge [sflag:s5], $0x4000  }
0x46: {  	[sflag:s5] =	ssyncset.done $0x0  }
0x47: {  	s22 =	simm.s32 $0x400;
	[sflag:s5] =	ssyncadd.s32 $0xFFFFC000  }
0x48: {  	[tilespmem:s7], [sflag:$0x1] =	stream.indirect.gather [hbm4b:s2+s6], $0x80, s22, s6, $0xb8;
	[tilespmem:$0x8800] =	vst v63  }
0x49: {  	_ =	swait.ge [sflag:s11], $0x4000  }
0x4a: {  	[sflag:s11] =	ssyncset.done $0x0  }
0x4b: {  	s23 =	sadd.s32 $0x3800, s31;
	[sflag:s11] =	ssyncadd.s32 $0xFFFFC000  }
0x4c: {  	[hbm4b:s23+s3] =	stream.linear.scatter [tilespmem:s8], [sflag:$0x3], $0x4000, $0x38;
	[tilespmem:$0x8800] =	vst v63  }
0x4d: {  	_ =	swait.ge [sflag:s5], $0x4000  }
0x4e: {  	[sflag:s5] =	ssyncset.done $0x0  }
0x4f: {  	s24 =	simm.s32 $0x480;
	[sflag:s5] =	ssyncadd.s32 $0xFFFFC000  }
0x50: {  	[tilespmem:s8], [sflag:$0x2] =	stream.indirect.gather [hbm4b:s2+s6], $0x80, s24, s6, $0xb8;
	[tilespmem:$0x8800] =	vst v63  }
0x51: {  	_ =	swait.ge [sflag:s9], $0x4000  }
0x52: {  	[sflag:s9] =	ssyncset.done $0x0  }
0x53: {  	s25 =	sadd.s32 $0x4000, s31;
	[sflag:s9] =	ssyncadd.s32 $0xFFFFC000  }
0x54: {  	[hbm4b:s25+s3] =	stream.linear.scatter [tilespmem:s7], [sflag:$0x3], $0x4000, $0x38;
	[tilespmem:$0x8800] =	vst v63  }
0x55: {  	_ =	swait.ge [sflag:s5], $0x4000  }
0x56: {  	[sflag:s5] =	ssyncset.done $0x0  }
0x57: {  	s26 =	simm.s32 $0x500;
	[sflag:s5] =	ssyncadd.s32 $0xFFFFC000  }
0x58: {  	[tilespmem:s7], [sflag:$0x1] =	stream.indirect.gather [hbm4b:s2+s6], $0x80, s26, s6, $0xb8;
	[tilespmem:$0x8800] =	vst v63  }
0x59: {  	_ =	swait.ge [sflag:s11], $0x4000  }
0x5a: {  	[sflag:s11] =	ssyncset.done $0x0  }
0x5b: {  	s28 =	sadd.s32 $0x4800, s31;
	[sflag:s11] =	ssyncadd.s32 $0xFFFFC000  }
0x5c: {  	[hbm4b:s28+s3] =	stream.linear.scatter [tilespmem:s8], [sflag:$0x3], $0x4000, $0x38;
	[tilespmem:$0x8800] =	vst v63  }
0x5d: {  	_ =	swait.ge [sflag:s5], $0x4000  }
0x5e: {  	[sflag:s5] =	ssyncset.done $0x0  }
0x5f: {  	s29 =	simm.s32 $0x580;
	[sflag:s5] =	ssyncadd.s32 $0xFFFFC000  }
0x60: {  	[tilespmem:s8], [sflag:$0x2] =	stream.indirect.gather [hbm4b:s2+s6], $0x80, s29, s6, $0xb8;
	[tilespmem:$0x8800] =	vst v63  }
0x61: {  	_ =	swait.ge [sflag:s9], $0x4000  }
0x62: {  	s1 =	ssub.s32 $0x2, s1;
	[sflag:s9] =	ssyncset.done $0x0  }
0x63: {  	s0 =	sshrl.u32 s1, $0x1;
	s30 =	sadd.s32 $0x5000, s31;
	[sflag:s9] =	ssyncadd.s32 $0xFFFFC000  }
0x64: {  	[hbm4b:s30+s3] =	stream.linear.scatter [tilespmem:s7], [sflag:$0x3], $0x4000, $0x38;
	[tilespmem:$0x8800] =	vst v63  }
0x65: {  	s0 =	ssub.s32 s1, s0;
	_ =	swait.ge [sflag:s5], $0x4000  }
0x66: {  	s0 =	smax.u32 s0, $0x1;
	[sflag:s5] =	ssyncset.done $0x0  }
0x67: {  	p0 =	sne.s32 s0, $0x1;
	[sflag:s5] =	ssyncadd.s32 $0xFFFFC000  }
.Ltmp0:
0x68: {  	_ =	swait.ge [sflag:s11], $0x4000;
	(pc) =	sbr.rel @!p0 .LBB2_2-.Ltmp0, $4  }
0x69: {  	[sflag:s11] =	ssyncset.done $0x0  }
0x6a: {  	s31 =	sadd.s32 $0x5800, s31;
	[sflag:s11] =	ssyncadd.s32 $0xFFFFC000  }
0x6b: {  	[hbm4b:s31+s3] =	stream.linear.scatter [tilespmem:s8], [sflag:$0x3], $0x4000, $0x38;
	[tilespmem:$0x8800] =	vst v63  }
0x6c: {  	s1 =	sadd.s32 $0xFFFFFFFF, s0;
	_ =	swait.ge [sflag:s5], $0x4000  }
.LBB2_1:
0x6d: {  	[sflag:s5] =	ssyncset.done $0x0  }
0x6e: {  	s0 =	rddreg [dreg:$0x3];
	[sflag:s5] =	ssyncadd.s32 $0xFFFFC000  }
0x6f: {  	[tilespmem:s3], [sflag:$0x3] =	stream.linear.gather [hbm4b:s0+s3], $0x600, $0x38;
	[tilespmem:$0x8800] =	vst v63  }
0x70: {  	_ =	swait.ge [sflag:s5], $0x600  }
0x71: {  	[sflag:s5] =	ssyncset.done $0x0  }
0x72: {  	[sflag:s5] =	ssyncadd.s32 $0xFFFFFA00  }
0x73: {  	[tilespmem:s7], [sflag:$0x1] =	stream.indirect.gather [hbm4b:s2+s6], $0x80, s3, s6, $0xb8;
	[tilespmem:$0x8800] =	vst v63  }
0x74: {  	_ = 	snop  }
0x75: {  	[tilespmem:s8], [sflag:$0x2] =	stream.indirect.gather [hbm4b:s2+s6], $0x80, s6, s6, $0xb8;
	[tilespmem:$0x8800] =	vst v63  }
0x76: {  	_ =	swait.ge [sflag:s9], $0x4000  }
0x77: {  	[sflag:s9] =	ssyncset.done $0x0  }
0x78: {  	[sflag:s9] =	ssyncadd.s32 $0xFFFFC000  }
0x79: {  	[hbm4b:s4+s3] =	stream.linear.scatter [tilespmem:s7], [sflag:$0x3], $0x4000, $0x38;
	[tilespmem:$0x8800] =	vst v63  }
0x7a: {  	_ =	swait.ge [sflag:s5], $0x4000  }
0x7b: {  	[sflag:s5] =	ssyncset.done $0x0  }
0x7c: {  	[sflag:s5] =	ssyncadd.s32 $0xFFFFC000  }
0x7d: {  	[tilespmem:s7], [sflag:$0x1] =	stream.indirect.gather [hbm4b:s2+s6], $0x80, s10, s6, $0xb8;
	[tilespmem:$0x8800] =	vst v63  }
0x7e: {  	_ =	swait.ge [sflag:s11], $0x4000  }
0x7f: {  	[sflag:s11] =	ssyncset.done $0x0  }
0x80: {  	s0 =	rddreg [dreg:$0x4];
	[sflag:s11] =	ssyncadd.s32 $0xFFFFC000  }
0x81: {  	[hbm4b:s0+s3] =	stream.linear.scatter [tilespmem:s8], [sflag:$0x3], $0x4000, $0x38;
	[tilespmem:$0x8800] =	vst v63  }
0x82: {  	_ =	swait.ge [sflag:s5], $0x4000  }
0x83: {  	[sflag:s5] =	ssyncset.done $0x0  }
0x84: {  	[sflag:s5] =	ssyncadd.s32 $0xFFFFC000  }
0x85: {  	[tilespmem:s8], [sflag:$0x2] =	stream.indirect.gather [hbm4b:s2+s6], $0x80, s12, s6, $0xb8;
	[tilespmem:$0x8800] =	vst v63  }
0x86: {  	_ =	swait.ge [sflag:s9], $0x4000  }
0x87: {  	[sflag:s9] =	ssyncset.done $0x0  }
0x88: {  	[sflag:s9] =	ssyncadd.s32 $0xFFFFC000  }
0x89: {  	[hbm4b:s13+s3] =	stream.linear.scatter [tilespmem:s7], [sflag:$0x3], $0x4000, $0x38;
	[tilespmem:$0x8800] =	vst v63  }
0x8a: {  	_ =	swait.ge [sflag:s5], $0x4000  }
0x8b: {  	[sflag:s5] =	ssyncset.done $0x0  }
0x8c: {  	[sflag:s5] =	ssyncadd.s32 $0xFFFFC000  }
0x8d: {  	[tilespmem:s7], [sflag:$0x1] =	stream.indirect.gather [hbm4b:s2+s6], $0x80, s14, s6, $0xb8;
	[tilespmem:$0x8800] =	vst v63  }
0x8e: {  	_ =	swait.ge [sflag:s11], $0x4000  }
0x8f: {  	[sflag:s11] =	ssyncset.done $0x0  }
0x90: {  	[sflag:s11] =	ssyncadd.s32 $0xFFFFC000  }
0x91: {  	[hbm4b:s15+s3] =	stream.linear.scatter [tilespmem:s8], [sflag:$0x3], $0x4000, $0x38;
	[tilespmem:$0x8800] =	vst v63  }
0x92: {  	_ =	swait.ge [sflag:s5], $0x4000  }
0x93: {  	[sflag:s5] =	ssyncset.done $0x0  }
0x94: {  	[sflag:s5] =	ssyncadd.s32 $0xFFFFC000  }
0x95: {  	[tilespmem:s8], [sflag:$0x2] =	stream.indirect.gather [hbm4b:s2+s6], $0x80, s16, s6, $0xb8;
	[tilespmem:$0x8800] =	vst v63  }
0x96: {  	_ =	swait.ge [sflag:s9], $0x4000  }
0x97: {  	[sflag:s9] =	ssyncset.done $0x0  }
0x98: {  	[sflag:s9] =	ssyncadd.s32 $0xFFFFC000  }
0x99: {  	[hbm4b:s17+s3] =	stream.linear.scatter [tilespmem:s7], [sflag:$0x3], $0x4000, $0x38;
	[tilespmem:$0x8800] =	vst v63  }
0x9a: {  	_ =	swait.ge [sflag:s5], $0x4000  }
0x9b: {  	[sflag:s5] =	ssyncset.done $0x0  }
0x9c: {  	[sflag:s5] =	ssyncadd.s32 $0xFFFFC000  }
0x9d: {  	[tilespmem:s7], [sflag:$0x1] =	stream.indirect.gather [hbm4b:s2+s6], $0x80, s18, s6, $0xb8;
	[tilespmem:$0x8800] =	vst v63  }
0x9e: {  	_ =	swait.ge [sflag:s11], $0x4000  }
0x9f: {  	[sflag:s11] =	ssyncset.done $0x0  }
0xa0: {  	[sflag:s11] =	ssyncadd.s32 $0xFFFFC000  }
0xa1: {  	[hbm4b:s19+s3] =	stream.linear.scatter [tilespmem:s8], [sflag:$0x3], $0x4000, $0x38;
	[tilespmem:$0x8800] =	vst v63  }
0xa2: {  	_ =	swait.ge [sflag:s5], $0x4000  }
0xa3: {  	[sflag:s5] =	ssyncset.done $0x0  }
0xa4: {  	[sflag:s5] =	ssyncadd.s32 $0xFFFFC000  }
0xa5: {  	[tilespmem:s8], [sflag:$0x2] =	stream.indirect.gather [hbm4b:s2+s6], $0x80, s20, s6, $0xb8;
	[tilespmem:$0x8800] =	vst v63  }
0xa6: {  	_ =	swait.ge [sflag:s9], $0x4000  }
0xa7: {  	[sflag:s9] =	ssyncset.done $0x0  }
0xa8: {  	[sflag:s9] =	ssyncadd.s32 $0xFFFFC000  }
0xa9: {  	[hbm4b:s21+s3] =	stream.linear.scatter [tilespmem:s7], [sflag:$0x3], $0x4000, $0x38;
	[tilespmem:$0x8800] =	vst v63  }
0xaa: {  	_ =	swait.ge [sflag:s5], $0x4000  }
0xab: {  	[sflag:s5] =	ssyncset.done $0x0  }
0xac: {  	[sflag:s5] =	ssyncadd.s32 $0xFFFFC000  }
0xad: {  	[tilespmem:s7], [sflag:$0x1] =	stream.indirect.gather [hbm4b:s2+s6], $0x80, s22, s6, $0xb8;
	[tilespmem:$0x8800] =	vst v63  }
0xae: {  	_ =	swait.ge [sflag:s11], $0x4000  }
0xaf: {  	[sflag:s11] =	ssyncset.done $0x0  }
0xb0: {  	[sflag:s11] =	ssyncadd.s32 $0xFFFFC000  }
0xb1: {  	[hbm4b:s23+s3] =	stream.linear.scatter [tilespmem:s8], [sflag:$0x3], $0x4000, $0x38;
	[tilespmem:$0x8800] =	vst v63  }
0xb2: {  	_ =	swait.ge [sflag:s5], $0x4000  }
0xb3: {  	[sflag:s5] =	ssyncset.done $0x0  }
0xb4: {  	[sflag:s5] =	ssyncadd.s32 $0xFFFFC000  }
0xb5: {  	[tilespmem:s8], [sflag:$0x2] =	stream.indirect.gather [hbm4b:s2+s6], $0x80, s24, s6, $0xb8;
	[tilespmem:$0x8800] =	vst v63  }
0xb6: {  	_ =	swait.ge [sflag:s9], $0x4000  }
0xb7: {  	[sflag:s9] =	ssyncset.done $0x0  }
0xb8: {  	[sflag:s9] =	ssyncadd.s32 $0xFFFFC000  }
0xb9: {  	[hbm4b:s25+s3] =	stream.linear.scatter [tilespmem:s7], [sflag:$0x3], $0x4000, $0x38;
	[tilespmem:$0x8800] =	vst v63  }
0xba: {  	_ =	swait.ge [sflag:s5], $0x4000  }
0xbb: {  	[sflag:s5] =	ssyncset.done $0x0  }
0xbc: {  	[sflag:s5] =	ssyncadd.s32 $0xFFFFC000  }
0xbd: {  	[tilespmem:s7], [sflag:$0x1] =	stream.indirect.gather [hbm4b:s2+s6], $0x80, s26, s6, $0xb8;
	[tilespmem:$0x8800] =	vst v63  }
0xbe: {  	_ =	swait.ge [sflag:s11], $0x4000  }
0xbf: {  	[sflag:s11] =	ssyncset.done $0x0  }
0xc0: {  	[sflag:s11] =	ssyncadd.s32 $0xFFFFC000  }
0xc1: {  	[hbm4b:s28+s3] =	stream.linear.scatter [tilespmem:s8], [sflag:$0x3], $0x4000, $0x38;
	[tilespmem:$0x8800] =	vst v63  }
0xc2: {  	_ =	swait.ge [sflag:s5], $0x4000  }
0xc3: {  	[sflag:s5] =	ssyncset.done $0x0  }
0xc4: {  	[sflag:s5] =	ssyncadd.s32 $0xFFFFC000  }
0xc5: {  	[tilespmem:s8], [sflag:$0x2] =	stream.indirect.gather [hbm4b:s2+s6], $0x80, s29, s6, $0xb8;
	[tilespmem:$0x8800] =	vst v63  }
0xc6: {  	_ =	swait.ge [sflag:s9], $0x4000  }
0xc7: {  	[sflag:s9] =	ssyncset.done $0x0  }
0xc8: {  	[sflag:s9] =	ssyncadd.s32 $0xFFFFC000  }
0xc9: {  	[hbm4b:s30+s3] =	stream.linear.scatter [tilespmem:s7], [sflag:$0x3], $0x4000, $0x38;
	[tilespmem:$0x8800] =	vst v63  }
0xca: {  	_ =	swait.ge [sflag:s5], $0x4000  }
0xcb: {  	[sflag:s5] =	ssyncset.done $0x0  }
0xcc: {  	p0 =	sne.s32 s1, $0x1;
	[sflag:s5] =	ssyncadd.s32 $0xFFFFC000  }
.Ltmp1:
0xcd: {  	_ =	swait.ge [sflag:s11], $0x4000;
	(pc) =	sbr.rel @p0 .LBB2_1-.Ltmp1, $4  }
0xce: {  	[sflag:s11] =	ssyncset.done $0x0  }
0xcf: {  	[sflag:s11] =	ssyncadd.s32 $0xFFFFC000  }
0xd0: {  	[hbm4b:s31+s3] =	stream.linear.scatter [tilespmem:s8], [sflag:$0x3], $0x4000, $0x38;
	[tilespmem:$0x8800] =	vst v63  }
0xd1: {  	s1 =	sadd.s32 $0xFFFFFFFF, s1;
	_ =	swait.ge [sflag:s5], $0x4000  }
.LBB2_2:
0xd2: {  	[sflag:s5] =	ssyncset.done $0x0  }
0xd3: {  	[sflag:s5] =	ssyncadd.s32 $0xFFFFC000  }
0xd4: {  	_ =	sfence.sel $0x180000  }
0xd5: {  	[bflag:$0x0] =	sbarrier.arrive $0xFFFF  }
0xd6: {  	_ =	strace $0x90000047  }
0xd7: {  	s0 =	stileid.u32;
	[bflag:$0x2] =	sbarrier.arrive $0xFFFF  }
0xd8: {  	p0 =	sne.s32 s0, $0x0;
	s0 =	rddreg [dreg:$0x2]  }
0xd9: {  	s0 =	sadd.s32 @!p0 $0x100000, s0  }
0xda: {  	[sflag:s0] =	ssyncadd.tile.s32 @!p0 $0x1;
	_ =	shalt  }
.Lfunc_end2:
_tile_overlayer_lowered:
.L_overlay_start_2:
0xdb: {  	(tag) =	ssettag $0x2  }
0xdc: {  	s0 =	rddreg [dreg:$0x0];
	s2 =	stileid.u32  }
0xdd: {  	s1 =	rddreg [dreg:$0x1];
	p0 =	sne.s32 s2, $0x0  }
0xde: {  	s3 =	rddreg [dreg:$0x2];
	[bflag:$0x3] =	sbarrier.arrive $0xFFFF;
	s2 =	simm.s32 @!p0 $0x1C03  }
0xdf: {  	[timem:s3], [sflag:s2] =	dma.local @!p0 [hbm:s0], s1  }
0xe0: {  	s0 =	simm.s32 @!p0 $0x3  }
0xe1: {  	_ =	swait.ge @!p0 [sflag:s0], s1  }
0xe2: {  	s1 =	ssub.s32 @!p0 $0x0, s1;
	[sflag:s0] =	ssyncset.done @!p0 $0x0  }
0xe3: {  	[sflag:s0] =	ssyncadd.s32 @!p0 s1  }
0xe4: {  	[bflag:$0x3] =	sbarrier.arrive $0xFFFF  }
0xe5: {  	_ =	shalt  }

</sc_bundles>
